<compile_context>
chip_gen: v7x
topology: tpu7x:2x2x1
jax: 0.10.2.dev20260603
libtpu: 0.0.44.dev20260713+nightly
codegen_flags: <defaults>
</compile_context>

<pallas_src>
import functools

import jax
import jax.numpy as jnp
from jax import lax
from jax.experimental import pallas as pl
from jax.experimental.pallas import tpu as pltpu
from jax.experimental.pallas import tpu_sc as plsc

_B = 4096
_L = 200
_D = 64
_NW = 32
_BT = _B // _NW

_mesh = plsc.VectorSubcoreMesh(core_axis_name="c", subcore_axis_name="s")


@functools.partial(
    pl.kernel,
    mesh=_mesh,
    out_type=jax.ShapeDtypeStruct((_B, _L, _D), jnp.float32),
    scratch_types=[
        pltpu.VMEM((_BT, 2, 128), jnp.int32),
        pltpu.VMEM((_L, _D), jnp.float32),
        pltpu.VMEM((_L, _D), jnp.float32),
        pltpu.SemaphoreType.DMA,
        pltpu.SemaphoreType.DMA,
        pltpu.SemaphoreType.DMA,
        pltpu.SemaphoreType.DMA,
    ],
    compiler_params=pltpu.CompilerParams(use_tc_tiling_on_sc=False),
)
def _gather_sc(xs_hbm, w_hbm, out_hbm, idx_v, g0, g1, sg0, sg1, sw0, sw1):
    wid = lax.axis_index("s") * 2 + lax.axis_index("c")
    b0 = wid * _BT

    pltpu.sync_copy(xs_hbm.at[pl.ds(b0, _BT)].at[:, pl.ds(0, 128)],
                    idx_v.at[:, 0])
    pltpu.sync_copy(xs_hbm.at[pl.ds(b0, _BT)].at[:, pl.ds(72, 128)],
                    idx_v.at[:, 1])

    def gathers(b, g, sem):
        pltpu.async_copy(w_hbm.at[idx_v.at[b].at[0]],
                         g.at[pl.ds(0, 128)], sem)
        pltpu.async_copy(w_hbm.at[idx_v.at[b].at[1]],
                         g.at[pl.ds(72, 128)], sem)

    def wait_gathers(g, sem):
        pltpu.make_async_copy(w_hbm.at[idx_v.at[0].at[0]],
                              g.at[pl.ds(0, 128)], sem).wait()
        pltpu.make_async_copy(w_hbm.at[idx_v.at[0].at[1]],
                              g.at[pl.ds(72, 128)], sem).wait()

    def wait_write(g, sem):
        pltpu.make_async_copy(g, out_hbm.at[b0], sem).wait()

    gathers(0, g0, sg0)
    gathers(1, g1, sg1)

    def half(b, g, sg, sw):
        wait_gathers(g, sg)
        pltpu.async_copy(g, out_hbm.at[b0 + b], sw)
        wait_write(g, sw)
        gathers(b + 2, g, sg)

    def body(k, carry):
        half(2 * k, g0, sg0, sw0)
        half(2 * k + 1, g1, sg1, sw1)
        return carry

    lax.fori_loop(0, _BT // 2 - 1, body, 0)

    wait_gathers(g0, sg0)
    pltpu.async_copy(g0, out_hbm.at[b0 + _BT - 2], sw0)
    wait_gathers(g1, sg1)
    pltpu.async_copy(g1, out_hbm.at[b0 + _BT - 1], sw1)
    wait_write(g0, sw0)
    wait_write(g1, sw1)


def _tr_body(x_ref, o_ref):
    x = x_ref[...]
    x3 = x.reshape(128, 100, 128)
    xt = jnp.transpose(x3, (1, 2, 0))
    o_ref[:, :, 0, :, :] = xt.reshape(100, 2, 8, 8, 128).reshape(200, 8, 8, 128)


_tr_call = pl.pallas_call(
    _tr_body,
    grid=(_B // 128,),
    in_specs=[pl.BlockSpec((12800, 128), lambda bt: (bt, 0))],
    out_specs=pl.BlockSpec((_L, 8, 1, 8, 128), lambda bt: (0, 0, bt, 0, 0)),
    out_shape=jax.ShapeDtypeStruct((_L, _D // 8, _B // 128, 8, 128), jnp.float32),
    compiler_params=pltpu.CompilerParams(vmem_limit_bytes=100 * 1024 * 1024),
)


def kernel(xs, W):
    out_g = _gather_sc(xs.astype(jnp.int32), W)
    out5 = _tr_call(out_g.reshape(_B * _L // 2, 128))
    return out5.transpose(2, 4, 0, 1, 3).reshape(_B, _L, _D)

# --- scband reference (transcript-rebuilt; emitter-appended) ---
"""Pipeline reference for scband-embed-layer-49941879718045 (READ-ONLY COPY).

The authoritative reference and input builder live on the scoring server;
editing this copy changes nothing except your own understanding.
"""

import jax, jax.numpy as jnp
import numpy as np

NUM_EMBEDDINGS = 1000000
EMBEDDING_DIM = 64
BATCH = 4096
SEQ = 200


def setup_inputs(seed: int = 0) -> dict:
    key = jax.random.key(seed)
    k_idx, k_w = jax.random.split(key)
    xs = jax.random.randint(k_idx, (BATCH, SEQ), 0, NUM_EMBEDDINGS, dtype=jnp.int64 if jax.config.jax_enable_x64 else jnp.int32)
    # embedding table (orthogonal init in torch; gather math is identical, use normal)
    W = jax.random.normal(k_w, (NUM_EMBEDDINGS, EMBEDDING_DIM), dtype=jnp.float32) * 0.02
    return {"xs": xs, "W": W}


def reference(xs, W):
    # EmbedLayer.forward: embeds = self.embedding(xs); dropout(p=0.0) is identity
    embeds = jnp.take(W, xs, axis=0)  # [B, L, D]
    return embeds

if __name__ == "__main__":
    import jax
    _d = setup_inputs()
    print(jax.jit(kernel)(*tuple(_d.values())))

</pallas_src>

<mosaic_0001>
#map = affine_map<(d0, d1) -> (0, 0)>
#map1 = affine_map<(d0, d1) -> (0, 0, 0)>
module attributes {stable_mosaic.version = 14 : i64} {
  func.func @_gather_sc(%arg0: i32, %arg1: i32, %arg2: memref<4096x200xi32, #tpu.memory_space<hbm>>, %arg3: memref<1000000x64xf32, #tpu.memory_space<hbm>>, %arg4: memref<4096x200x64xf32, #tpu.memory_space<hbm>>, %arg5: memref<128x2x128xi32, #tpu.memory_space<vmem>>, %arg6: memref<200x64xf32, #tpu.memory_space<vmem>>, %arg7: memref<200x64xf32, #tpu.memory_space<vmem>>, %arg8: memref<!tpu.dma_semaphore, #tpu.memory_space<semaphore_mem>>, %arg9: memref<!tpu.dma_semaphore, #tpu.memory_space<semaphore_mem>>, %arg10: memref<!tpu.dma_semaphore, #tpu.memory_space<semaphore_mem>>, %arg11: memref<!tpu.dma_semaphore, #tpu.memory_space<semaphore_mem>>) attributes {dimension_semantics = [#tpu.dimension_semantics<core_parallel>, #tpu.dimension_semantics<subcore_parallel>], iteration_bounds = array<i64: 2, 16>, scalar_prefetch = 0 : i64, scratch_operands = 7 : i64, tpu.core_type = #tpu.core_type<sc_vector_subcore>, window_params = [{transform_indices = #map}, {transform_indices = #map}, {transform_indices = #map1}]} {
    %mul3A = arith.constant 2 : i32
    %mul3A_0 = arith.muli %arg1, %mul3A : i32
    %add3A = arith.addi %mul3A_0, %arg0 : i32
    %mul3A_1 = arith.constant 128 : i32
    %mul3A_2 = arith.muli %add3A, %mul3A_1 : i32
    %run_scoped3A = arith.constant 0 : i32
    "tpu.region"() ({
      %run_scoped3A_166 = tpu.sem_alloc : memref<!tpu.dma_semaphore, #tpu.memory_space<semaphore_mem>>
      %dma_start3A_167 = arith.constant 0 : i32
      %dma_start3A_168 = arith.constant 0 : i32
      %dma_start3A_169 = tpu.memref_slice %arg5[%dma_start3A_167, %run_scoped3A, %dma_start3A_168] : memref<128x2x128xi32, #tpu.memory_space<vmem>> -> memref<128x1x128xi32, #tpu.memory_space<vmem>>
      %dma_start3A_170 = tpu.memref_squeeze %dma_start3A_169 : memref<128x1x128xi32, #tpu.memory_space<vmem>> -> memref<128x128xi32, #tpu.memory_space<vmem>>
      %dma_start3A_171 = arith.constant 0 : i32
      %dma_start3A_172 = tpu.memref_slice %arg2[%mul3A_2, %dma_start3A_171] : memref<4096x200xi32, #tpu.memory_space<hbm>> -> memref<128x200xi32, #tpu.memory_space<hbm>>
      %dma_start3A_173 = arith.constant 0 : i32
      %dma_start3A_174 = arith.constant 0 : i32
      %dma_start3A_175 = tpu.memref_slice %dma_start3A_172[%dma_start3A_173, %dma_start3A_174] : memref<128x200xi32, #tpu.memory_space<hbm>> -> memref<128x128xi32, #tpu.memory_space<hbm>>
      %dma_start3A_176 = arith.constant 0 : i32
      %dma_start3A_177 = arith.constant 0 : i32
      %dma_start3A_178 = tpu.memref_slice %arg5[%dma_start3A_176, %run_scoped3A, %dma_start3A_177] : memref<128x2x128xi32, #tpu.memory_space<vmem>> -> memref<128x1x128xi32, #tpu.memory_space<vmem>>
      %dma_start3A_179 = tpu.memref_squeeze %dma_start3A_178 : memref<128x1x128xi32, #tpu.memory_space<vmem>> -> memref<128x128xi32, #tpu.memory_space<vmem>>
      %dma_start3A_180 = arith.constant 0 : i32
      %dma_start3A_181 = tpu.memref_slice %arg2[%mul3A_2, %dma_start3A_180] : memref<4096x200xi32, #tpu.memory_space<hbm>> -> memref<128x200xi32, #tpu.memory_space<hbm>>
      %dma_start3A_182 = arith.constant 0 : i32
      %dma_start3A_183 = arith.constant 0 : i32
      %dma_start3A_184 = tpu.memref_slice %dma_start3A_181[%dma_start3A_182, %dma_start3A_183] : memref<128x200xi32, #tpu.memory_space<hbm>> -> memref<128x128xi32, #tpu.memory_space<hbm>>
      tpu.enqueue_dma source(%dma_start3A_184 : memref<128x128xi32, #tpu.memory_space<hbm>>) target(%dma_start3A_179 : memref<128x128xi32, #tpu.memory_space<vmem>>) target_semaphore(%run_scoped3A_166 : memref<!tpu.dma_semaphore, #tpu.memory_space<semaphore_mem>>)
      %dma_wait3A_185 = arith.constant 0 : i32
      %dma_wait3A_186 = arith.constant 0 : i32
      %dma_wait3A_187 = tpu.memref_slice %arg5[%dma_wait3A_185, %run_scoped3A, %dma_wait3A_186] : memref<128x2x128xi32, #tpu.memory_space<vmem>> -> memref<128x1x128xi32, #tpu.memory_space<vmem>>
      %dma_wait3A_188 = tpu.memref_squeeze %dma_wait3A_187 : memref<128x1x128xi32, #tpu.memory_space<vmem>> -> memref<128x128xi32, #tpu.memory_space<vmem>>
      %dma_wait3A_189 = arith.constant 0 : i32
      %dma_wait3A_190 = tpu.memref_slice %arg2[%mul3A_2, %dma_wait3A_189] : memref<4096x200xi32, #tpu.memory_space<hbm>> -> memref<128x200xi32, #tpu.memory_space<hbm>>
      %dma_wait3A_191 = arith.constant 0 : i32
      %dma_wait3A_192 = arith.constant 0 : i32
      %dma_wait3A_193 = tpu.memref_slice %dma_wait3A_190[%dma_wait3A_191, %dma_wait3A_192] : memref<128x200xi32, #tpu.memory_space<hbm>> -> memref<128x128xi32, #tpu.memory_space<hbm>>
      %dma_wait3A_194 = arith.constant 0 : i32
      %dma_wait3A_195 = arith.constant 0 : i32
      %dma_wait3A_196 = tpu.memref_slice %arg5[%dma_wait3A_194, %run_scoped3A, %dma_wait3A_195] : memref<128x2x128xi32, #tpu.memory_space<vmem>> -> memref<128x1x128xi32, #tpu.memory_space<vmem>>
      %dma_wait3A_197 = tpu.memref_squeeze %dma_wait3A_196 : memref<128x1x128xi32, #tpu.memory_space<vmem>> -> memref<128x128xi32, #tpu.memory_space<vmem>>
      %dma_wait3A_198 = arith.constant 0 : i32
      %dma_wait3A_199 = tpu.memref_slice %arg2[%mul3A_2, %dma_wait3A_198] : memref<4096x200xi32, #tpu.memory_space<hbm>> -> memref<128x200xi32, #tpu.memory_space<hbm>>
      %dma_wait3A_200 = arith.constant 0 : i32
      %dma_wait3A_201 = arith.constant 0 : i32
      %dma_wait3A_202 = tpu.memref_slice %dma_wait3A_199[%dma_wait3A_200, %dma_wait3A_201] : memref<128x200xi32, #tpu.memory_space<hbm>> -> memref<128x128xi32, #tpu.memory_space<hbm>>
      tpu.wait_dma2 semaphore(%run_scoped3A_166 : memref<!tpu.dma_semaphore, #tpu.memory_space<semaphore_mem>>) src(%dma_wait3A_202 : memref<128x128xi32, #tpu.memory_space<hbm>>) dst(%dma_wait3A_197 : memref<128x128xi32, #tpu.memory_space<vmem>>)
      tpu.yield
    }) : () -> ()
    %run_scoped3A_3 = arith.constant 1 : i32
    "tpu.region"() ({
      %run_scoped3A_166 = tpu.sem_alloc : memref<!tpu.dma_semaphore, #tpu.memory_space<semaphore_mem>>
      %dma_start3A_167 = arith.constant 0 : i32
      %dma_start3A_168 = arith.constant 0 : i32
      %dma_start3A_169 = tpu.memref_slice %arg5[%dma_start3A_167, %run_scoped3A_3, %dma_start3A_168] : memref<128x2x128xi32, #tpu.memory_space<vmem>> -> memref<128x1x128xi32, #tpu.memory_space<vmem>>
      %dma_start3A_170 = tpu.memref_squeeze %dma_start3A_169 : memref<128x1x128xi32, #tpu.memory_space<vmem>> -> memref<128x128xi32, #tpu.memory_space<vmem>>
      %dma_start3A_171 = arith.constant 0 : i32
      %dma_start3A_172 = tpu.memref_slice %arg2[%mul3A_2, %dma_start3A_171] : memref<4096x200xi32, #tpu.memory_space<hbm>> -> memref<128x200xi32, #tpu.memory_space<hbm>>
      %dma_start3A_173 = arith.constant 0 : i32
      %dma_start3A_174 = arith.constant 72 : i32
      %dma_start3A_175 = tpu.memref_slice %dma_start3A_172[%dma_start3A_173, %dma_start3A_174] : memref<128x200xi32, #tpu.memory_space<hbm>> -> memref<128x128xi32, #tpu.memory_space<hbm>>
      %dma_start3A_176 = arith.constant 0 : i32
      %dma_start3A_177 = arith.constant 0 : i32
      %dma_start3A_178 = tpu.memref_slice %arg5[%dma_start3A_176, %run_scoped3A_3, %dma_start3A_177] : memref<128x2x128xi32, #tpu.memory_space<vmem>> -> memref<128x1x128xi32, #tpu.memory_space<vmem>>
      %dma_start3A_179 = tpu.memref_squeeze %dma_start3A_178 : memref<128x1x128xi32, #tpu.memory_space<vmem>> -> memref<128x128xi32, #tpu.memory_space<vmem>>
      %dma_start3A_180 = arith.constant 0 : i32
      %dma_start3A_181 = tpu.memref_slice %arg2[%mul3A_2, %dma_start3A_180] : memref<4096x200xi32, #tpu.memory_space<hbm>> -> memref<128x200xi32, #tpu.memory_space<hbm>>
      %dma_start3A_182 = arith.constant 0 : i32
      %dma_start3A_183 = arith.constant 72 : i32
      %dma_start3A_184 = tpu.memref_slice %dma_start3A_181[%dma_start3A_182, %dma_start3A_183] : memref<128x200xi32, #tpu.memory_space<hbm>> -> memref<128x128xi32, #tpu.memory_space<hbm>>
      tpu.enqueue_dma source(%dma_start3A_184 : memref<128x128xi32, #tpu.memory_space<hbm>>) target(%dma_start3A_179 : memref<128x128xi32, #tpu.memory_space<vmem>>) target_semaphore(%run_scoped3A_166 : memref<!tpu.dma_semaphore, #tpu.memory_space<semaphore_mem>>)
      %dma_wait3A_185 = arith.constant 0 : i32
      %dma_wait3A_186 = arith.constant 0 : i32
      %dma_wait3A_187 = tpu.memref_slice %arg5[%dma_wait3A_185, %run_scoped3A_3, %dma_wait3A_186] : memref<128x2x128xi32, #tpu.memory_space<vmem>> -> memref<128x1x128xi32, #tpu.memory_space<vmem>>
      %dma_wait3A_188 = tpu.memref_squeeze %dma_wait3A_187 : memref<128x1x128xi32, #tpu.memory_space<vmem>> -> memref<128x128xi32, #tpu.memory_space<vmem>>
      %dma_wait3A_189 = arith.constant 0 : i32
      %dma_wait3A_190 = tpu.memref_slice %arg2[%mul3A_2, %dma_wait3A_189] : memref<4096x200xi32, #tpu.memory_space<hbm>> -> memref<128x200xi32, #tpu.memory_space<hbm>>
      %dma_wait3A_191 = arith.constant 0 : i32
      %dma_wait3A_192 = arith.constant 72 : i32
      %dma_wait3A_193 = tpu.memref_slice %dma_wait3A_190[%dma_wait3A_191, %dma_wait3A_192] : memref<128x200xi32, #tpu.memory_space<hbm>> -> memref<128x128xi32, #tpu.memory_space<hbm>>
      %dma_wait3A_194 = arith.constant 0 : i32
      %dma_wait3A_195 = arith.constant 0 : i32
      %dma_wait3A_196 = tpu.memref_slice %arg5[%dma_wait3A_194, %run_scoped3A_3, %dma_wait3A_195] : memref<128x2x128xi32, #tpu.memory_space<vmem>> -> memref<128x1x128xi32, #tpu.memory_space<vmem>>
      %dma_wait3A_197 = tpu.memref_squeeze %dma_wait3A_196 : memref<128x1x128xi32, #tpu.memory_space<vmem>> -> memref<128x128xi32, #tpu.memory_space<vmem>>
      %dma_wait3A_198 = arith.constant 0 : i32
      %dma_wait3A_199 = tpu.memref_slice %arg2[%mul3A_2, %dma_wait3A_198] : memref<4096x200xi32, #tpu.memory_space<hbm>> -> memref<128x200xi32, #tpu.memory_space<hbm>>
      %dma_wait3A_200 = arith.constant 0 : i32
      %dma_wait3A_201 = arith.constant 72 : i32
      %dma_wait3A_202 = tpu.memref_slice %dma_wait3A_199[%dma_wait3A_200, %dma_wait3A_201] : memref<128x200xi32, #tpu.memory_space<hbm>> -> memref<128x128xi32, #tpu.memory_space<hbm>>
      tpu.wait_dma2 semaphore(%run_scoped3A_166 : memref<!tpu.dma_semaphore, #tpu.memory_space<semaphore_mem>>) src(%dma_wait3A_202 : memref<128x128xi32, #tpu.memory_space<hbm>>) dst(%dma_wait3A_197 : memref<128x128xi32, #tpu.memory_space<vmem>>)
      tpu.yield
    }) : () -> ()
    %dma_start3A = arith.constant 0 : i32
    %dma_start3A_4 = arith.constant 0 : i32
    %dma_start3A_5 = arith.constant 0 : i32
    %dma_start3A_6 = arith.constant 0 : i32
    %dma_start3A_7 = tpu.memref_slice %arg6[%dma_start3A_5, %dma_start3A_6] : memref<200x64xf32, #tpu.memory_space<vmem>> -> memref<128x64xf32, #tpu.memory_space<vmem>>
    %dma_start3A_8 = arith.constant 0 : i32
    %dma_start3A_9 = arith.constant 0 : i32
    %dma_start3A_10 = tpu.memref_slice %arg5[%dma_start3A, %dma_start3A_8, %dma_start3A_9] : memref<128x2x128xi32, #tpu.memory_space<vmem>> -> memref<1x2x128xi32, #tpu.memory_space<vmem>>
    %dma_start3A_11 = tpu.memref_squeeze %dma_start3A_10 : memref<1x2x128xi32, #tpu.memory_space<vmem>> -> memref<2x128xi32, #tpu.memory_space<vmem>>
    %dma_start3A_12 = arith.constant 0 : i32
    %dma_start3A_13 = tpu.memref_slice %dma_start3A_11[%dma_start3A_4, %dma_start3A_12] : memref<2x128xi32, #tpu.memory_space<vmem>> -> memref<1x128xi32, #tpu.memory_space<vmem>>
    %dma_start3A_14 = tpu.memref_squeeze %dma_start3A_13 : memref<1x128xi32, #tpu.memory_space<vmem>> -> memref<128xi32, #tpu.memory_space<vmem>>
    %dma_start3A_15 = arith.constant 0 : i32
    %dma_start3A_16 = arith.constant 0 : i32
    %dma_start3A_17 = tpu.memref_slice %arg3[%dma_start3A_15, %dma_start3A_16] : memref<1000000x64xf32, #tpu.memory_space<hbm>> -> memref<1000000x64xf32, #tpu.memory_space<hbm>>
    tpu.enqueue_indirect_dma source(%dma_start3A_17 : memref<1000000x64xf32, #tpu.memory_space<hbm>>) target(%dma_start3A_7 : memref<128x64xf32, #tpu.memory_space<vmem>>) offsets(%dma_start3A_14 : memref<128xi32, #tpu.memory_space<vmem>>) semaphore(%arg8 : memref<!tpu.dma_semaphore, #tpu.memory_space<semaphore_mem>>)
    %dma_start3A_18 = arith.constant 0 : i32
    %dma_start3A_19 = arith.constant 1 : i32
    %dma_start3A_20 = arith.constant 72 : i32
    %dma_start3A_21 = arith.constant 0 : i32
    %dma_start3A_22 = tpu.memref_slice %arg6[%dma_start3A_20, %dma_start3A_21] : memref<200x64xf32, #tpu.memory_space<vmem>> -> memref<128x64xf32, #tpu.memory_space<vmem>>
    %dma_start3A_23 = arith.constant 0 : i32
    %dma_start3A_24 = arith.constant 0 : i32
    %dma_start3A_25 = tpu.memref_slice %arg5[%dma_start3A_18, %dma_start3A_23, %dma_start3A_24] : memref<128x2x128xi32, #tpu.memory_space<vmem>> -> memref<1x2x128xi32, #tpu.memory_space<vmem>>
    %dma_start3A_26 = tpu.memref_squeeze %dma_start3A_25 : memref<1x2x128xi32, #tpu.memory_space<vmem>> -> memref<2x128xi32, #tpu.memory_space<vmem>>
    %dma_start3A_27 = arith.constant 0 : i32
    %dma_start3A_28 = tpu.memref_slice %dma_start3A_26[%dma_start3A_19, %dma_start3A_27] : memref<2x128xi32, #tpu.memory_space<vmem>> -> memref<1x128xi32, #tpu.memory_space<vmem>>
    %dma_start3A_29 = tpu.memref_squeeze %dma_start3A_28 : memref<1x128xi32, #tpu.memory_space<vmem>> -> memref<128xi32, #tpu.memory_space<vmem>>
    %dma_start3A_30 = arith.constant 0 : i32
    %dma_start3A_31 = arith.constant 0 : i32
    %dma_start3A_32 = tpu.memref_slice %arg3[%dma_start3A_30, %dma_start3A_31] : memref<1000000x64xf32, #tpu.memory_space<hbm>> -> memref<1000000x64xf32, #tpu.memory_space<hbm>>
    tpu.enqueue_indirect_dma source(%dma_start3A_32 : memref<1000000x64xf32, #tpu.memory_space<hbm>>) target(%dma_start3A_22 : memref<128x64xf32, #tpu.memory_space<vmem>>) offsets(%dma_start3A_29 : memref<128xi32, #tpu.memory_space<vmem>>) semaphore(%arg8 : memref<!tpu.dma_semaphore, #tpu.memory_space<semaphore_mem>>)
    %dma_start3A_33 = arith.constant 1 : i32
    %dma_start3A_34 = arith.constant 0 : i32
    %dma_start3A_35 = arith.constant 0 : i32
    %dma_start3A_36 = arith.constant 0 : i32
    %dma_start3A_37 = tpu.memref_slice %arg7[%dma_start3A_35, %dma_start3A_36] : memref<200x64xf32, #tpu.memory_space<vmem>> -> memref<128x64xf32, #tpu.memory_space<vmem>>
    %dma_start3A_38 = arith.constant 0 : i32
    %dma_start3A_39 = arith.constant 0 : i32
    %dma_start3A_40 = tpu.memref_slice %arg5[%dma_start3A_33, %dma_start3A_38, %dma_start3A_39] : memref<128x2x128xi32, #tpu.memory_space<vmem>> -> memref<1x2x128xi32, #tpu.memory_space<vmem>>
    %dma_start3A_41 = tpu.memref_squeeze %dma_start3A_40 : memref<1x2x128xi32, #tpu.memory_space<vmem>> -> memref<2x128xi32, #tpu.memory_space<vmem>>
    %dma_start3A_42 = arith.constant 0 : i32
    %dma_start3A_43 = tpu.memref_slice %dma_start3A_41[%dma_start3A_34, %dma_start3A_42] : memref<2x128xi32, #tpu.memory_space<vmem>> -> memref<1x128xi32, #tpu.memory_space<vmem>>
    %dma_start3A_44 = tpu.memref_squeeze %dma_start3A_43 : memref<1x128xi32, #tpu.memory_space<vmem>> -> memref<128xi32, #tpu.memory_space<vmem>>
    %dma_start3A_45 = arith.constant 0 : i32
    %dma_start3A_46 = arith.constant 0 : i32
    %dma_start3A_47 = tpu.memref_slice %arg3[%dma_start3A_45, %dma_start3A_46] : memref<1000000x64xf32, #tpu.memory_space<hbm>> -> memref<1000000x64xf32, #tpu.memory_space<hbm>>
    tpu.enqueue_indirect_dma source(%dma_start3A_47 : memref<1000000x64xf32, #tpu.memory_space<hbm>>) target(%dma_start3A_37 : memref<128x64xf32, #tpu.memory_space<vmem>>) offsets(%dma_start3A_44 : memref<128xi32, #tpu.memory_space<vmem>>) semaphore(%arg9 : memref<!tpu.dma_semaphore, #tpu.memory_space<semaphore_mem>>)
    %dma_start3A_48 = arith.constant 1 : i32
    %dma_start3A_49 = arith.constant 1 : i32
    %dma_start3A_50 = arith.constant 72 : i32
    %dma_start3A_51 = arith.constant 0 : i32
    %dma_start3A_52 = tpu.memref_slice %arg7[%dma_start3A_50, %dma_start3A_51] : memref<200x64xf32, #tpu.memory_space<vmem>> -> memref<128x64xf32, #tpu.memory_space<vmem>>
    %dma_start3A_53 = arith.constant 0 : i32
    %dma_start3A_54 = arith.constant 0 : i32
    %dma_start3A_55 = tpu.memref_slice %arg5[%dma_start3A_48, %dma_start3A_53, %dma_start3A_54] : memref<128x2x128xi32, #tpu.memory_space<vmem>> -> memref<1x2x128xi32, #tpu.memory_space<vmem>>
    %dma_start3A_56 = tpu.memref_squeeze %dma_start3A_55 : memref<1x2x128xi32, #tpu.memory_space<vmem>> -> memref<2x128xi32, #tpu.memory_space<vmem>>
    %dma_start3A_57 = arith.constant 0 : i32
    %dma_start3A_58 = tpu.memref_slice %dma_start3A_56[%dma_start3A_49, %dma_start3A_57] : memref<2x128xi32, #tpu.memory_space<vmem>> -> memref<1x128xi32, #tpu.memory_space<vmem>>
    %dma_start3A_59 = tpu.memref_squeeze %dma_start3A_58 : memref<1x128xi32, #tpu.memory_space<vmem>> -> memref<128xi32, #tpu.memory_space<vmem>>
    %dma_start3A_60 = arith.constant 0 : i32
    %dma_start3A_61 = arith.constant 0 : i32
    %dma_start3A_62 = tpu.memref_slice %arg3[%dma_start3A_60, %dma_start3A_61] : memref<1000000x64xf32, #tpu.memory_space<hbm>> -> memref<1000000x64xf32, #tpu.memory_space<hbm>>
    tpu.enqueue_indirect_dma source(%dma_start3A_62 : memref<1000000x64xf32, #tpu.memory_space<hbm>>) target(%dma_start3A_52 : memref<128x64xf32, #tpu.memory_space<vmem>>) offsets(%dma_start3A_59 : memref<128xi32, #tpu.memory_space<vmem>>) semaphore(%arg9 : memref<!tpu.dma_semaphore, #tpu.memory_space<semaphore_mem>>)
    %scan3A = arith.constant 0 : i32
    %scan3A_63 = arith.constant 0 : i32
    %scan3A_64 = arith.constant 63 : i32
    %scan3A_65 = arith.addi %scan3A_63, %scan3A_64 : i32
    %scan3A_66 = arith.constant 1 : i32
    scf.for %scan3A_166 = %scan3A_63 to %scan3A_65 step %scan3A_66  : i32 {
      %mul3A_167 = arith.constant 2 : i32
      %mul3A_168 = arith.muli %mul3A_167, %scan3A_166 : i32
      %dma_wait3A_169 = arith.constant 0 : i32
      %dma_wait3A_170 = arith.constant 0 : i32
      %dma_wait3A_171 = arith.constant 0 : i32
      %dma_wait3A_172 = arith.constant 0 : i32
      %dma_wait3A_173 = tpu.memref_slice %arg6[%dma_wait3A_171, %dma_wait3A_172] : memref<200x64xf32, #tpu.memory_space<vmem>> -> memref<128x64xf32, #tpu.memory_space<vmem>>
      %dma_wait3A_174 = arith.constant 0 : i32
      %dma_wait3A_175 = arith.constant 0 : i32
      %dma_wait3A_176 = tpu.memref_slice %arg5[%dma_wait3A_169, %dma_wait3A_174, %dma_wait3A_175] : memref<128x2x128xi32, #tpu.memory_space<vmem>> -> memref<1x2x128xi32, #tpu.memory_space<vmem>>
      %dma_wait3A_177 = tpu.memref_squeeze %dma_wait3A_176 : memref<1x2x128xi32, #tpu.memory_space<vmem>> -> memref<2x128xi32, #tpu.memory_space<vmem>>
      %dma_wait3A_178 = arith.constant 0 : i32
      %dma_wait3A_179 = tpu.memref_slice %dma_wait3A_177[%dma_wait3A_170, %dma_wait3A_178] : memref<2x128xi32, #tpu.memory_space<vmem>> -> memref<1x128xi32, #tpu.memory_space<vmem>>
      %dma_wait3A_180 = tpu.memref_squeeze %dma_wait3A_179 : memref<1x128xi32, #tpu.memory_space<vmem>> -> memref<128xi32, #tpu.memory_space<vmem>>
      %dma_wait3A_181 = arith.constant 0 : i32
      %dma_wait3A_182 = arith.constant 0 : i32
      %dma_wait3A_183 = tpu.memref_slice %arg3[%dma_wait3A_181, %dma_wait3A_182] : memref<1000000x64xf32, #tpu.memory_space<hbm>> -> memref<1000000x64xf32, #tpu.memory_space<hbm>>
      tpu.wait_indirect_dma semaphore(%arg8 : memref<!tpu.dma_semaphore, #tpu.memory_space<semaphore_mem>>) src(%dma_wait3A_183 : memref<1000000x64xf32, #tpu.memory_space<hbm>>) dst(%dma_wait3A_173 : memref<128x64xf32, #tpu.memory_space<vmem>>)
      %dma_wait3A_184 = arith.constant 0 : i32
      %dma_wait3A_185 = arith.constant 1 : i32
      %dma_wait3A_186 = arith.constant 72 : i32
      %dma_wait3A_187 = arith.constant 0 : i32
      %dma_wait3A_188 = tpu.memref_slice %arg6[%dma_wait3A_186, %dma_wait3A_187] : memref<200x64xf32, #tpu.memory_space<vmem>> -> memref<128x64xf32, #tpu.memory_space<vmem>>
      %dma_wait3A_189 = arith.constant 0 : i32
      %dma_wait3A_190 = arith.constant 0 : i32
      %dma_wait3A_191 = tpu.memref_slice %arg5[%dma_wait3A_184, %dma_wait3A_189, %dma_wait3A_190] : memref<128x2x128xi32, #tpu.memory_space<vmem>> -> memref<1x2x128xi32, #tpu.memory_space<vmem>>
      %dma_wait3A_192 = tpu.memref_squeeze %dma_wait3A_191 : memref<1x2x128xi32, #tpu.memory_space<vmem>> -> memref<2x128xi32, #tpu.memory_space<vmem>>
      %dma_wait3A_193 = arith.constant 0 : i32
      %dma_wait3A_194 = tpu.memref_slice %dma_wait3A_192[%dma_wait3A_185, %dma_wait3A_193] : memref<2x128xi32, #tpu.memory_space<vmem>> -> memref<1x128xi32, #tpu.memory_space<vmem>>
      %dma_wait3A_195 = tpu.memref_squeeze %dma_wait3A_194 : memref<1x128xi32, #tpu.memory_space<vmem>> -> memref<128xi32, #tpu.memory_space<vmem>>
      %dma_wait3A_196 = arith.constant 0 : i32
      %dma_wait3A_197 = arith.constant 0 : i32
      %dma_wait3A_198 = tpu.memref_slice %arg3[%dma_wait3A_196, %dma_wait3A_197] : memref<1000000x64xf32, #tpu.memory_space<hbm>> -> memref<1000000x64xf32, #tpu.memory_space<hbm>>
      tpu.wait_indirect_dma semaphore(%arg8 : memref<!tpu.dma_semaphore, #tpu.memory_space<semaphore_mem>>) src(%dma_wait3A_198 : memref<1000000x64xf32, #tpu.memory_space<hbm>>) dst(%dma_wait3A_188 : memref<128x64xf32, #tpu.memory_space<vmem>>)
      %add3A_199 = arith.addi %mul3A_2, %mul3A_168 : i32
      %dma_start3A_200 = arith.constant 0 : i32
      %dma_start3A_201 = arith.constant 0 : i32
      %dma_start3A_202 = tpu.memref_slice %arg4[%add3A_199, %dma_start3A_200, %dma_start3A_201] : memref<4096x200x64xf32, #tpu.memory_space<hbm>> -> memref<1x200x64xf32, #tpu.memory_space<hbm>>
      %dma_start3A_203 = tpu.memref_squeeze %dma_start3A_202 : memref<1x200x64xf32, #tpu.memory_space<hbm>> -> memref<200x64xf32, #tpu.memory_space<hbm>>
      %dma_start3A_204 = arith.constant 0 : i32
      %dma_start3A_205 = arith.constant 0 : i32
      %dma_start3A_206 = tpu.memref_slice %arg4[%add3A_199, %dma_start3A_204, %dma_start3A_205] : memref<4096x200x64xf32, #tpu.memory_space<hbm>> -> memref<1x200x64xf32, #tpu.memory_space<hbm>>
      %dma_start3A_207 = tpu.memref_squeeze %dma_start3A_206 : memref<1x200x64xf32, #tpu.memory_space<hbm>> -> memref<200x64xf32, #tpu.memory_space<hbm>>
      tpu.enqueue_dma source(%arg6 : memref<200x64xf32, #tpu.memory_space<vmem>>) target(%dma_start3A_207 : memref<200x64xf32, #tpu.memory_space<hbm>>) target_semaphore(%arg10 : memref<!tpu.dma_semaphore, #tpu.memory_space<semaphore_mem>>)
      %dma_wait3A_208 = arith.constant 0 : i32
      %dma_wait3A_209 = arith.constant 0 : i32
      %dma_wait3A_210 = tpu.memref_slice %arg4[%mul3A_2, %dma_wait3A_208, %dma_wait3A_209] : memref<4096x200x64xf32, #tpu.memory_space<hbm>> -> memref<1x200x64xf32, #tpu.memory_space<hbm>>
      %dma_wait3A_211 = tpu.memref_squeeze %dma_wait3A_210 : memref<1x200x64xf32, #tpu.memory_space<hbm>> -> memref<200x64xf32, #tpu.memory_space<hbm>>
      %dma_wait3A_212 = arith.constant 0 : i32
      %dma_wait3A_213 = arith.constant 0 : i32
      %dma_wait3A_214 = tpu.memref_slice %arg4[%mul3A_2, %dma_wait3A_212, %dma_wait3A_213] : memref<4096x200x64xf32, #tpu.memory_space<hbm>> -> memref<1x200x64xf32, #tpu.memory_space<hbm>>
      %dma_wait3A_215 = tpu.memref_squeeze %dma_wait3A_214 : memref<1x200x64xf32, #tpu.memory_space<hbm>> -> memref<200x64xf32, #tpu.memory_space<hbm>>
      tpu.wait_dma2 semaphore(%arg10 : memref<!tpu.dma_semaphore, #tpu.memory_space<semaphore_mem>>) src(%arg6 : memref<200x64xf32, #tpu.memory_space<vmem>>) dst(%dma_wait3A_215 : memref<200x64xf32, #tpu.memory_space<hbm>>)
      %add3A_216 = arith.constant 2 : i32
      %add3A_217 = arith.addi %mul3A_168, %add3A_216 : i32
      %dma_start3A_218 = arith.constant 0 : i32
      %dma_start3A_219 = arith.constant 0 : i32
      %dma_start3A_220 = arith.constant 0 : i32
      %dma_start3A_221 = tpu.memref_slice %arg6[%dma_start3A_219, %dma_start3A_220] : memref<200x64xf32, #tpu.memory_space<vmem>> -> memref<128x64xf32, #tpu.memory_space<vmem>>
      %dma_start3A_222 = arith.constant 0 : i32
      %dma_start3A_223 = arith.constant 0 : i32
      %dma_start3A_224 = tpu.memref_slice %arg5[%add3A_217, %dma_start3A_222, %dma_start3A_223] : memref<128x2x128xi32, #tpu.memory_space<vmem>> -> memref<1x2x128xi32, #tpu.memory_space<vmem>>
      %dma_start3A_225 = tpu.memref_squeeze %dma_start3A_224 : memref<1x2x128xi32, #tpu.memory_space<vmem>> -> memref<2x128xi32, #tpu.memory_space<vmem>>
      %dma_start3A_226 = arith.constant 0 : i32
      %dma_start3A_227 = tpu.memref_slice %dma_start3A_225[%dma_start3A_218, %dma_start3A_226] : memref<2x128xi32, #tpu.memory_space<vmem>> -> memref<1x128xi32, #tpu.memory_space<vmem>>
      %dma_start3A_228 = tpu.memref_squeeze %dma_start3A_227 : memref<1x128xi32, #tpu.memory_space<vmem>> -> memref<128xi32, #tpu.memory_space<vmem>>
      %dma_start3A_229 = arith.constant 0 : i32
      %dma_start3A_230 = arith.constant 0 : i32
      %dma_start3A_231 = tpu.memref_slice %arg3[%dma_start3A_229, %dma_start3A_230] : memref<1000000x64xf32, #tpu.memory_space<hbm>> -> memref<1000000x64xf32, #tpu.memory_space<hbm>>
      tpu.enqueue_indirect_dma source(%dma_start3A_231 : memref<1000000x64xf32, #tpu.memory_space<hbm>>) target(%dma_start3A_221 : memref<128x64xf32, #tpu.memory_space<vmem>>) offsets(%dma_start3A_228 : memref<128xi32, #tpu.memory_space<vmem>>) semaphore(%arg8 : memref<!tpu.dma_semaphore, #tpu.memory_space<semaphore_mem>>)
      %dma_start3A_232 = arith.constant 1 : i32
      %dma_start3A_233 = arith.constant 72 : i32
      %dma_start3A_234 = arith.constant 0 : i32
      %dma_start3A_235 = tpu.memref_slice %arg6[%dma_start3A_233, %dma_start3A_234] : memref<200x64xf32, #tpu.memory_space<vmem>> -> memref<128x64xf32, #tpu.memory_space<vmem>>
      %dma_start3A_236 = arith.constant 0 : i32
      %dma_start3A_237 = arith.constant 0 : i32
      %dma_start3A_238 = tpu.memref_slice %arg5[%add3A_217, %dma_start3A_236, %dma_start3A_237] : memref<128x2x128xi32, #tpu.memory_space<vmem>> -> memref<1x2x128xi32, #tpu.memory_space<vmem>>
      %dma_start3A_239 = tpu.memref_squeeze %dma_start3A_238 : memref<1x2x128xi32, #tpu.memory_space<vmem>> -> memref<2x128xi32, #tpu.memory_space<vmem>>
      %dma_start3A_240 = arith.constant 0 : i32
      %dma_start3A_241 = tpu.memref_slice %dma_start3A_239[%dma_start3A_232, %dma_start3A_240] : memref<2x128xi32, #tpu.memory_space<vmem>> -> memref<1x128xi32, #tpu.memory_space<vmem>>
      %dma_start3A_242 = tpu.memref_squeeze %dma_start3A_241 : memref<1x128xi32, #tpu.memory_space<vmem>> -> memref<128xi32, #tpu.memory_space<vmem>>
      %dma_start3A_243 = arith.constant 0 : i32
      %dma_start3A_244 = arith.constant 0 : i32
      %dma_start3A_245 = tpu.memref_slice %arg3[%dma_start3A_243, %dma_start3A_244] : memref<1000000x64xf32, #tpu.memory_space<hbm>> -> memref<1000000x64xf32, #tpu.memory_space<hbm>>
      tpu.enqueue_indirect_dma source(%dma_start3A_245 : memref<1000000x64xf32, #tpu.memory_space<hbm>>) target(%dma_start3A_235 : memref<128x64xf32, #tpu.memory_space<vmem>>) offsets(%dma_start3A_242 : memref<128xi32, #tpu.memory_space<vmem>>) semaphore(%arg8 : memref<!tpu.dma_semaphore, #tpu.memory_space<semaphore_mem>>)
      %mul3A_246 = arith.constant 2 : i32
      %mul3A_247 = arith.muli %mul3A_246, %scan3A_166 : i32
      %add3A_248 = arith.constant 1 : i32
      %add3A_249 = arith.addi %mul3A_247, %add3A_248 : i32
      %dma_wait3A_250 = arith.constant 0 : i32
      %dma_wait3A_251 = arith.constant 0 : i32
      %dma_wait3A_252 = arith.constant 0 : i32
      %dma_wait3A_253 = arith.constant 0 : i32
      %dma_wait3A_254 = tpu.memref_slice %arg7[%dma_wait3A_252, %dma_wait3A_253] : memref<200x64xf32, #tpu.memory_space<vmem>> -> memref<128x64xf32, #tpu.memory_space<vmem>>
      %dma_wait3A_255 = arith.constant 0 : i32
      %dma_wait3A_256 = arith.constant 0 : i32
      %dma_wait3A_257 = tpu.memref_slice %arg5[%dma_wait3A_250, %dma_wait3A_255, %dma_wait3A_256] : memref<128x2x128xi32, #tpu.memory_space<vmem>> -> memref<1x2x128xi32, #tpu.memory_space<vmem>>
      %dma_wait3A_258 = tpu.memref_squeeze %dma_wait3A_257 : memref<1x2x128xi32, #tpu.memory_space<vmem>> -> memref<2x128xi32, #tpu.memory_space<vmem>>
      %dma_wait3A_259 = arith.constant 0 : i32
      %dma_wait3A_260 = tpu.memref_slice %dma_wait3A_258[%dma_wait3A_251, %dma_wait3A_259] : memref<2x128xi32, #tpu.memory_space<vmem>> -> memref<1x128xi32, #tpu.memory_space<vmem>>
      %dma_wait3A_261 = tpu.memref_squeeze %dma_wait3A_260 : memref<1x128xi32, #tpu.memory_space<vmem>> -> memref<128xi32, #tpu.memory_space<vmem>>
      %dma_wait3A_262 = arith.constant 0 : i32
      %dma_wait3A_263 = arith.constant 0 : i32
      %dma_wait3A_264 = tpu.memref_slice %arg3[%dma_wait3A_262, %dma_wait3A_263] : memref<1000000x64xf32, #tpu.memory_space<hbm>> -> memref<1000000x64xf32, #tpu.memory_space<hbm>>
      tpu.wait_indirect_dma semaphore(%arg9 : memref<!tpu.dma_semaphore, #tpu.memory_space<semaphore_mem>>) src(%dma_wait3A_264 : memref<1000000x64xf32, #tpu.memory_space<hbm>>) dst(%dma_wait3A_254 : memref<128x64xf32, #tpu.memory_space<vmem>>)
      %dma_wait3A_265 = arith.constant 0 : i32
      %dma_wait3A_266 = arith.constant 1 : i32
      %dma_wait3A_267 = arith.constant 72 : i32
      %dma_wait3A_268 = arith.constant 0 : i32
      %dma_wait3A_269 = tpu.memref_slice %arg7[%dma_wait3A_267, %dma_wait3A_268] : memref<200x64xf32, #tpu.memory_space<vmem>> -> memref<128x64xf32, #tpu.memory_space<vmem>>
      %dma_wait3A_270 = arith.constant 0 : i32
      %dma_wait3A_271 = arith.constant 0 : i32
      %dma_wait3A_272 = tpu.memref_slice %arg5[%dma_wait3A_265, %dma_wait3A_270, %dma_wait3A_271] : memref<128x2x128xi32, #tpu.memory_space<vmem>> -> memref<1x2x128xi32, #tpu.memory_space<vmem>>
      %dma_wait3A_273 = tpu.memref_squeeze %dma_wait3A_272 : memref<1x2x128xi32, #tpu.memory_space<vmem>> -> memref<2x128xi32, #tpu.memory_space<vmem>>
      %dma_wait3A_274 = arith.constant 0 : i32
      %dma_wait3A_275 = tpu.memref_slice %dma_wait3A_273[%dma_wait3A_266, %dma_wait3A_274] : memref<2x128xi32, #tpu.memory_space<vmem>> -> memref<1x128xi32, #tpu.memory_space<vmem>>
      %dma_wait3A_276 = tpu.memref_squeeze %dma_wait3A_275 : memref<1x128xi32, #tpu.memory_space<vmem>> -> memref<128xi32, #tpu.memory_space<vmem>>
      %dma_wait3A_277 = arith.constant 0 : i32
      %dma_wait3A_278 = arith.constant 0 : i32
      %dma_wait3A_279 = tpu.memref_slice %arg3[%dma_wait3A_277, %dma_wait3A_278] : memref<1000000x64xf32, #tpu.memory_space<hbm>> -> memref<1000000x64xf32, #tpu.memory_space<hbm>>
      tpu.wait_indirect_dma semaphore(%arg9 : memref<!tpu.dma_semaphore, #tpu.memory_space<semaphore_mem>>) src(%dma_wait3A_279 : memref<1000000x64xf32, #tpu.memory_space<hbm>>) dst(%dma_wait3A_269 : memref<128x64xf32, #tpu.memory_space<vmem>>)
      %add3A_280 = arith.addi %mul3A_2, %add3A_249 : i32
      %dma_start3A_281 = arith.constant 0 : i32
      %dma_start3A_282 = arith.constant 0 : i32
      %dma_start3A_283 = tpu.memref_slice %arg4[%add3A_280, %dma_start3A_281, %dma_start3A_282] : memref<4096x200x64xf32, #tpu.memory_space<hbm>> -> memref<1x200x64xf32, #tpu.memory_space<hbm>>
      %dma_start3A_284 = tpu.memref_squeeze %dma_start3A_283 : memref<1x200x64xf32, #tpu.memory_space<hbm>> -> memref<200x64xf32, #tpu.memory_space<hbm>>
      %dma_start3A_285 = arith.constant 0 : i32
      %dma_start3A_286 = arith.constant 0 : i32
      %dma_start3A_287 = tpu.memref_slice %arg4[%add3A_280, %dma_start3A_285, %dma_start3A_286] : memref<4096x200x64xf32, #tpu.memory_space<hbm>> -> memref<1x200x64xf32, #tpu.memory_space<hbm>>
      %dma_start3A_288 = tpu.memref_squeeze %dma_start3A_287 : memref<1x200x64xf32, #tpu.memory_space<hbm>> -> memref<200x64xf32, #tpu.memory_space<hbm>>
      tpu.enqueue_dma source(%arg7 : memref<200x64xf32, #tpu.memory_space<vmem>>) target(%dma_start3A_288 : memref<200x64xf32, #tpu.memory_space<hbm>>) target_semaphore(%arg11 : memref<!tpu.dma_semaphore, #tpu.memory_space<semaphore_mem>>)
      %dma_wait3A_289 = arith.constant 0 : i32
      %dma_wait3A_290 = arith.constant 0 : i32
      %dma_wait3A_291 = tpu.memref_slice %arg4[%mul3A_2, %dma_wait3A_289, %dma_wait3A_290] : memref<4096x200x64xf32, #tpu.memory_space<hbm>> -> memref<1x200x64xf32, #tpu.memory_space<hbm>>
      %dma_wait3A_292 = tpu.memref_squeeze %dma_wait3A_291 : memref<1x200x64xf32, #tpu.memory_space<hbm>> -> memref<200x64xf32, #tpu.memory_space<hbm>>
      %dma_wait3A_293 = arith.constant 0 : i32
      %dma_wait3A_294 = arith.constant 0 : i32
      %dma_wait3A_295 = tpu.memref_slice %arg4[%mul3A_2, %dma_wait3A_293, %dma_wait3A_294] : memref<4096x200x64xf32, #tpu.memory_space<hbm>> -> memref<1x200x64xf32, #tpu.memory_space<hbm>>
      %dma_wait3A_296 = tpu.memref_squeeze %dma_wait3A_295 : memref<1x200x64xf32, #tpu.memory_space<hbm>> -> memref<200x64xf32, #tpu.memory_space<hbm>>
      tpu.wait_dma2 semaphore(%arg11 : memref<!tpu.dma_semaphore, #tpu.memory_space<semaphore_mem>>) src(%arg7 : memref<200x64xf32, #tpu.memory_space<vmem>>) dst(%dma_wait3A_296 : memref<200x64xf32, #tpu.memory_space<hbm>>)
      %add3A_297 = arith.constant 2 : i32
      %add3A_298 = arith.addi %add3A_249, %add3A_297 : i32
      %dma_start3A_299 = arith.constant 0 : i32
      %dma_start3A_300 = arith.constant 0 : i32
      %dma_start3A_301 = arith.constant 0 : i32
      %dma_start3A_302 = tpu.memref_slice %arg7[%dma_start3A_300, %dma_start3A_301] : memref<200x64xf32, #tpu.memory_space<vmem>> -> memref<128x64xf32, #tpu.memory_space<vmem>>
      %dma_start3A_303 = arith.constant 0 : i32
      %dma_start3A_304 = arith.constant 0 : i32
      %dma_start3A_305 = tpu.memref_slice %arg5[%add3A_298, %dma_start3A_303, %dma_start3A_304] : memref<128x2x128xi32, #tpu.memory_space<vmem>> -> memref<1x2x128xi32, #tpu.memory_space<vmem>>
      %dma_start3A_306 = tpu.memref_squeeze %dma_start3A_305 : memref<1x2x128xi32, #tpu.memory_space<vmem>> -> memref<2x128xi32, #tpu.memory_space<vmem>>
      %dma_start3A_307 = arith.constant 0 : i32
      %dma_start3A_308 = tpu.memref_slice %dma_start3A_306[%dma_start3A_299, %dma_start3A_307] : memref<2x128xi32, #tpu.memory_space<vmem>> -> memref<1x128xi32, #tpu.memory_space<vmem>>
      %dma_start3A_309 = tpu.memref_squeeze %dma_start3A_308 : memref<1x128xi32, #tpu.memory_space<vmem>> -> memref<128xi32, #tpu.memory_space<vmem>>
      %dma_start3A_310 = arith.constant 0 : i32
      %dma_start3A_311 = arith.constant 0 : i32
      %dma_start3A_312 = tpu.memref_slice %arg3[%dma_start3A_310, %dma_start3A_311] : memref<1000000x64xf32, #tpu.memory_space<hbm>> -> memref<1000000x64xf32, #tpu.memory_space<hbm>>
      tpu.enqueue_indirect_dma source(%dma_start3A_312 : memref<1000000x64xf32, #tpu.memory_space<hbm>>) target(%dma_start3A_302 : memref<128x64xf32, #tpu.memory_space<vmem>>) offsets(%dma_start3A_309 : memref<128xi32, #tpu.memory_space<vmem>>) semaphore(%arg9 : memref<!tpu.dma_semaphore, #tpu.memory_space<semaphore_mem>>)
      %dma_start3A_313 = arith.constant 1 : i32
      %dma_start3A_314 = arith.constant 72 : i32
      %dma_start3A_315 = arith.constant 0 : i32
      %dma_start3A_316 = tpu.memref_slice %arg7[%dma_start3A_314, %dma_start3A_315] : memref<200x64xf32, #tpu.memory_space<vmem>> -> memref<128x64xf32, #tpu.memory_space<vmem>>
      %dma_start3A_317 = arith.constant 0 : i32
      %dma_start3A_318 = arith.constant 0 : i32
      %dma_start3A_319 = tpu.memref_slice %arg5[%add3A_298, %dma_start3A_317, %dma_start3A_318] : memref<128x2x128xi32, #tpu.memory_space<vmem>> -> memref<1x2x128xi32, #tpu.memory_space<vmem>>
      %dma_start3A_320 = tpu.memref_squeeze %dma_start3A_319 : memref<1x2x128xi32, #tpu.memory_space<vmem>> -> memref<2x128xi32, #tpu.memory_space<vmem>>
      %dma_start3A_321 = arith.constant 0 : i32
      %dma_start3A_322 = tpu.memref_slice %dma_start3A_320[%dma_start3A_313, %dma_start3A_321] : memref<2x128xi32, #tpu.memory_space<vmem>> -> memref<1x128xi32, #tpu.memory_space<vmem>>
      %dma_start3A_323 = tpu.memref_squeeze %dma_start3A_322 : memref<1x128xi32, #tpu.memory_space<vmem>> -> memref<128xi32, #tpu.memory_space<vmem>>
      %dma_start3A_324 = arith.constant 0 : i32
      %dma_start3A_325 = arith.constant 0 : i32
      %dma_start3A_326 = tpu.memref_slice %arg3[%dma_start3A_324, %dma_start3A_325] : memref<1000000x64xf32, #tpu.memory_space<hbm>> -> memref<1000000x64xf32, #tpu.memory_space<hbm>>
      tpu.enqueue_indirect_dma source(%dma_start3A_326 : memref<1000000x64xf32, #tpu.memory_space<hbm>>) target(%dma_start3A_316 : memref<128x64xf32, #tpu.memory_space<vmem>>) offsets(%dma_start3A_323 : memref<128xi32, #tpu.memory_space<vmem>>) semaphore(%arg9 : memref<!tpu.dma_semaphore, #tpu.memory_space<semaphore_mem>>)
    }
    %scan3A_67 = arith.constant 63 : i32
    %dma_wait3A = arith.constant 0 : i32
    %dma_wait3A_68 = arith.constant 0 : i32
    %dma_wait3A_69 = arith.constant 0 : i32
    %dma_wait3A_70 = arith.constant 0 : i32
    %dma_wait3A_71 = tpu.memref_slice %arg6[%dma_wait3A_69, %dma_wait3A_70] : memref<200x64xf32, #tpu.memory_space<vmem>> -> memref<128x64xf32, #tpu.memory_space<vmem>>
    %dma_wait3A_72 = arith.constant 0 : i32
    %dma_wait3A_73 = arith.constant 0 : i32
    %dma_wait3A_74 = tpu.memref_slice %arg5[%dma_wait3A, %dma_wait3A_72, %dma_wait3A_73] : memref<128x2x128xi32, #tpu.memory_space<vmem>> -> memref<1x2x128xi32, #tpu.memory_space<vmem>>
    %dma_wait3A_75 = tpu.memref_squeeze %dma_wait3A_74 : memref<1x2x128xi32, #tpu.memory_space<vmem>> -> memref<2x128xi32, #tpu.memory_space<vmem>>
    %dma_wait3A_76 = arith.constant 0 : i32
    %dma_wait3A_77 = tpu.memref_slice %dma_wait3A_75[%dma_wait3A_68, %dma_wait3A_76] : memref<2x128xi32, #tpu.memory_space<vmem>> -> memref<1x128xi32, #tpu.memory_space<vmem>>
    %dma_wait3A_78 = tpu.memref_squeeze %dma_wait3A_77 : memref<1x128xi32, #tpu.memory_space<vmem>> -> memref<128xi32, #tpu.memory_space<vmem>>
    %dma_wait3A_79 = arith.constant 0 : i32
    %dma_wait3A_80 = arith.constant 0 : i32
    %dma_wait3A_81 = tpu.memref_slice %arg3[%dma_wait3A_79, %dma_wait3A_80] : memref<1000000x64xf32, #tpu.memory_space<hbm>> -> memref<1000000x64xf32, #tpu.memory_space<hbm>>
    tpu.wait_indirect_dma semaphore(%arg8 : memref<!tpu.dma_semaphore, #tpu.memory_space<semaphore_mem>>) src(%dma_wait3A_81 : memref<1000000x64xf32, #tpu.memory_space<hbm>>) dst(%dma_wait3A_71 : memref<128x64xf32, #tpu.memory_space<vmem>>)
    %dma_wait3A_82 = arith.constant 0 : i32
    %dma_wait3A_83 = arith.constant 1 : i32
    %dma_wait3A_84 = arith.constant 72 : i32
    %dma_wait3A_85 = arith.constant 0 : i32
    %dma_wait3A_86 = tpu.memref_slice %arg6[%dma_wait3A_84, %dma_wait3A_85] : memref<200x64xf32, #tpu.memory_space<vmem>> -> memref<128x64xf32, #tpu.memory_space<vmem>>
    %dma_wait3A_87 = arith.constant 0 : i32
    %dma_wait3A_88 = arith.constant 0 : i32
    %dma_wait3A_89 = tpu.memref_slice %arg5[%dma_wait3A_82, %dma_wait3A_87, %dma_wait3A_88] : memref<128x2x128xi32, #tpu.memory_space<vmem>> -> memref<1x2x128xi32, #tpu.memory_space<vmem>>
    %dma_wait3A_90 = tpu.memref_squeeze %dma_wait3A_89 : memref<1x2x128xi32, #tpu.memory_space<vmem>> -> memref<2x128xi32, #tpu.memory_space<vmem>>
    %dma_wait3A_91 = arith.constant 0 : i32
    %dma_wait3A_92 = tpu.memref_slice %dma_wait3A_90[%dma_wait3A_83, %dma_wait3A_91] : memref<2x128xi32, #tpu.memory_space<vmem>> -> memref<1x128xi32, #tpu.memory_space<vmem>>
    %dma_wait3A_93 = tpu.memref_squeeze %dma_wait3A_92 : memref<1x128xi32, #tpu.memory_space<vmem>> -> memref<128xi32, #tpu.memory_space<vmem>>
    %dma_wait3A_94 = arith.constant 0 : i32
    %dma_wait3A_95 = arith.constant 0 : i32
    %dma_wait3A_96 = tpu.memref_slice %arg3[%dma_wait3A_94, %dma_wait3A_95] : memref<1000000x64xf32, #tpu.memory_space<hbm>> -> memref<1000000x64xf32, #tpu.memory_space<hbm>>
    tpu.wait_indirect_dma semaphore(%arg8 : memref<!tpu.dma_semaphore, #tpu.memory_space<semaphore_mem>>) src(%dma_wait3A_96 : memref<1000000x64xf32, #tpu.memory_space<hbm>>) dst(%dma_wait3A_86 : memref<128x64xf32, #tpu.memory_space<vmem>>)
    %add3A_97 = arith.constant 128 : i32
    %add3A_98 = arith.addi %mul3A_2, %add3A_97 : i32
    %sub3A = arith.constant 2 : i32
    %sub3A_99 = arith.subi %add3A_98, %sub3A : i32
    %dma_start3A_100 = arith.constant 0 : i32
    %dma_start3A_101 = arith.constant 0 : i32
    %dma_start3A_102 = tpu.memref_slice %arg4[%sub3A_99, %dma_start3A_100, %dma_start3A_101] : memref<4096x200x64xf32, #tpu.memory_space<hbm>> -> memref<1x200x64xf32, #tpu.memory_space<hbm>>
    %dma_start3A_103 = tpu.memref_squeeze %dma_start3A_102 : memref<1x200x64xf32, #tpu.memory_space<hbm>> -> memref<200x64xf32, #tpu.memory_space<hbm>>
    %dma_start3A_104 = arith.constant 0 : i32
    %dma_start3A_105 = arith.constant 0 : i32
    %dma_start3A_106 = tpu.memref_slice %arg4[%sub3A_99, %dma_start3A_104, %dma_start3A_105] : memref<4096x200x64xf32, #tpu.memory_space<hbm>> -> memref<1x200x64xf32, #tpu.memory_space<hbm>>
    %dma_start3A_107 = tpu.memref_squeeze %dma_start3A_106 : memref<1x200x64xf32, #tpu.memory_space<hbm>> -> memref<200x64xf32, #tpu.memory_space<hbm>>
    tpu.enqueue_dma source(%arg6 : memref<200x64xf32, #tpu.memory_space<vmem>>) target(%dma_start3A_107 : memref<200x64xf32, #tpu.memory_space<hbm>>) target_semaphore(%arg10 : memref<!tpu.dma_semaphore, #tpu.memory_space<semaphore_mem>>)
    %dma_wait3A_108 = arith.constant 0 : i32
    %dma_wait3A_109 = arith.constant 0 : i32
    %dma_wait3A_110 = arith.constant 0 : i32
    %dma_wait3A_111 = arith.constant 0 : i32
    %dma_wait3A_112 = tpu.memref_slice %arg7[%dma_wait3A_110, %dma_wait3A_111] : memref<200x64xf32, #tpu.memory_space<vmem>> -> memref<128x64xf32, #tpu.memory_space<vmem>>
    %dma_wait3A_113 = arith.constant 0 : i32
    %dma_wait3A_114 = arith.constant 0 : i32
    %dma_wait3A_115 = tpu.memref_slice %arg5[%dma_wait3A_108, %dma_wait3A_113, %dma_wait3A_114] : memref<128x2x128xi32, #tpu.memory_space<vmem>> -> memref<1x2x128xi32, #tpu.memory_space<vmem>>
    %dma_wait3A_116 = tpu.memref_squeeze %dma_wait3A_115 : memref<1x2x128xi32, #tpu.memory_space<vmem>> -> memref<2x128xi32, #tpu.memory_space<vmem>>
    %dma_wait3A_117 = arith.constant 0 : i32
    %dma_wait3A_118 = tpu.memref_slice %dma_wait3A_116[%dma_wait3A_109, %dma_wait3A_117] : memref<2x128xi32, #tpu.memory_space<vmem>> -> memref<1x128xi32, #tpu.memory_space<vmem>>
    %dma_wait3A_119 = tpu.memref_squeeze %dma_wait3A_118 : memref<1x128xi32, #tpu.memory_space<vmem>> -> memref<128xi32, #tpu.memory_space<vmem>>
    %dma_wait3A_120 = arith.constant 0 : i32
    %dma_wait3A_121 = arith.constant 0 : i32
    %dma_wait3A_122 = tpu.memref_slice %arg3[%dma_wait3A_120, %dma_wait3A_121] : memref<1000000x64xf32, #tpu.memory_space<hbm>> -> memref<1000000x64xf32, #tpu.memory_space<hbm>>
    tpu.wait_indirect_dma semaphore(%arg9 : memref<!tpu.dma_semaphore, #tpu.memory_space<semaphore_mem>>) src(%dma_wait3A_122 : memref<1000000x64xf32, #tpu.memory_space<hbm>>) dst(%dma_wait3A_112 : memref<128x64xf32, #tpu.memory_space<vmem>>)
    %dma_wait3A_123 = arith.constant 0 : i32
    %dma_wait3A_124 = arith.constant 1 : i32
    %dma_wait3A_125 = arith.constant 72 : i32
    %dma_wait3A_126 = arith.constant 0 : i32
    %dma_wait3A_127 = tpu.memref_slice %arg7[%dma_wait3A_125, %dma_wait3A_126] : memref<200x64xf32, #tpu.memory_space<vmem>> -> memref<128x64xf32, #tpu.memory_space<vmem>>
    %dma_wait3A_128 = arith.constant 0 : i32
    %dma_wait3A_129 = arith.constant 0 : i32
    %dma_wait3A_130 = tpu.memref_slice %arg5[%dma_wait3A_123, %dma_wait3A_128, %dma_wait3A_129] : memref<128x2x128xi32, #tpu.memory_space<vmem>> -> memref<1x2x128xi32, #tpu.memory_space<vmem>>
    %dma_wait3A_131 = tpu.memref_squeeze %dma_wait3A_130 : memref<1x2x128xi32, #tpu.memory_space<vmem>> -> memref<2x128xi32, #tpu.memory_space<vmem>>
    %dma_wait3A_132 = arith.constant 0 : i32
    %dma_wait3A_133 = tpu.memref_slice %dma_wait3A_131[%dma_wait3A_124, %dma_wait3A_132] : memref<2x128xi32, #tpu.memory_space<vmem>> -> memref<1x128xi32, #tpu.memory_space<vmem>>
    %dma_wait3A_134 = tpu.memref_squeeze %dma_wait3A_133 : memref<1x128xi32, #tpu.memory_space<vmem>> -> memref<128xi32, #tpu.memory_space<vmem>>
    %dma_wait3A_135 = arith.constant 0 : i32
    %dma_wait3A_136 = arith.constant 0 : i32
    %dma_wait3A_137 = tpu.memref_slice %arg3[%dma_wait3A_135, %dma_wait3A_136] : memref<1000000x64xf32, #tpu.memory_space<hbm>> -> memref<1000000x64xf32, #tpu.memory_space<hbm>>
    tpu.wait_indirect_dma semaphore(%arg9 : memref<!tpu.dma_semaphore, #tpu.memory_space<semaphore_mem>>) src(%dma_wait3A_137 : memref<1000000x64xf32, #tpu.memory_space<hbm>>) dst(%dma_wait3A_127 : memref<128x64xf32, #tpu.memory_space<vmem>>)
    %add3A_138 = arith.constant 128 : i32
    %add3A_139 = arith.addi %mul3A_2, %add3A_138 : i32
    %sub3A_140 = arith.constant 1 : i32
    %sub3A_141 = arith.subi %add3A_139, %sub3A_140 : i32
    %dma_start3A_142 = arith.constant 0 : i32
    %dma_start3A_143 = arith.constant 0 : i32
    %dma_start3A_144 = tpu.memref_slice %arg4[%sub3A_141, %dma_start3A_142, %dma_start3A_143] : memref<4096x200x64xf32, #tpu.memory_space<hbm>> -> memref<1x200x64xf32, #tpu.memory_space<hbm>>
    %dma_start3A_145 = tpu.memref_squeeze %dma_start3A_144 : memref<1x200x64xf32, #tpu.memory_space<hbm>> -> memref<200x64xf32, #tpu.memory_space<hbm>>
    %dma_start3A_146 = arith.constant 0 : i32
    %dma_start3A_147 = arith.constant 0 : i32
    %dma_start3A_148 = tpu.memref_slice %arg4[%sub3A_141, %dma_start3A_146, %dma_start3A_147] : memref<4096x200x64xf32, #tpu.memory_space<hbm>> -> memref<1x200x64xf32, #tpu.memory_space<hbm>>
    %dma_start3A_149 = tpu.memref_squeeze %dma_start3A_148 : memref<1x200x64xf32, #tpu.memory_space<hbm>> -> memref<200x64xf32, #tpu.memory_space<hbm>>
    tpu.enqueue_dma source(%arg7 : memref<200x64xf32, #tpu.memory_space<vmem>>) target(%dma_start3A_149 : memref<200x64xf32, #tpu.memory_space<hbm>>) target_semaphore(%arg11 : memref<!tpu.dma_semaphore, #tpu.memory_space<semaphore_mem>>)
    %dma_wait3A_150 = arith.constant 0 : i32
    %dma_wait3A_151 = arith.constant 0 : i32
    %dma_wait3A_152 = tpu.memref_slice %arg4[%mul3A_2, %dma_wait3A_150, %dma_wait3A_151] : memref<4096x200x64xf32, #tpu.memory_space<hbm>> -> memref<1x200x64xf32, #tpu.memory_space<hbm>>
    %dma_wait3A_153 = tpu.memref_squeeze %dma_wait3A_152 : memref<1x200x64xf32, #tpu.memory_space<hbm>> -> memref<200x64xf32, #tpu.memory_space<hbm>>
    %dma_wait3A_154 = arith.constant 0 : i32
    %dma_wait3A_155 = arith.constant 0 : i32
    %dma_wait3A_156 = tpu.memref_slice %arg4[%mul3A_2, %dma_wait3A_154, %dma_wait3A_155] : memref<4096x200x64xf32, #tpu.memory_space<hbm>> -> memref<1x200x64xf32, #tpu.memory_space<hbm>>
    %dma_wait3A_157 = tpu.memref_squeeze %dma_wait3A_156 : memref<1x200x64xf32, #tpu.memory_space<hbm>> -> memref<200x64xf32, #tpu.memory_space<hbm>>
    tpu.wait_dma2 semaphore(%arg10 : memref<!tpu.dma_semaphore, #tpu.memory_space<semaphore_mem>>) src(%arg6 : memref<200x64xf32, #tpu.memory_space<vmem>>) dst(%dma_wait3A_157 : memref<200x64xf32, #tpu.memory_space<hbm>>)
    %dma_wait3A_158 = arith.constant 0 : i32
    %dma_wait3A_159 = arith.constant 0 : i32
    %dma_wait3A_160 = tpu.memref_slice %arg4[%mul3A_2, %dma_wait3A_158, %dma_wait3A_159] : memref<4096x200x64xf32, #tpu.memory_space<hbm>> -> memref<1x200x64xf32, #tpu.memory_space<hbm>>
    %dma_wait3A_161 = tpu.memref_squeeze %dma_wait3A_160 : memref<1x200x64xf32, #tpu.memory_space<hbm>> -> memref<200x64xf32, #tpu.memory_space<hbm>>
    %dma_wait3A_162 = arith.constant 0 : i32
    %dma_wait3A_163 = arith.constant 0 : i32
    %dma_wait3A_164 = tpu.memref_slice %arg4[%mul3A_2, %dma_wait3A_162, %dma_wait3A_163] : memref<4096x200x64xf32, #tpu.memory_space<hbm>> -> memref<1x200x64xf32, #tpu.memory_space<hbm>>
    %dma_wait3A_165 = tpu.memref_squeeze %dma_wait3A_164 : memref<1x200x64xf32, #tpu.memory_space<hbm>> -> memref<200x64xf32, #tpu.memory_space<hbm>>
    tpu.wait_dma2 semaphore(%arg11 : memref<!tpu.dma_semaphore, #tpu.memory_space<semaphore_mem>>) src(%arg7 : memref<200x64xf32, #tpu.memory_space<vmem>>) dst(%dma_wait3A_165 : memref<200x64xf32, #tpu.memory_space<hbm>>)
    return
  }
}

module attributes {stable_mosaic.version = 14 : i64} {
  func.func @_tr_body(%arg0: i32, %arg1: memref<12800x128xf32, #tpu.memory_space<vmem>>, %arg2: memref<200x8x1x8x128xf32, #tpu.memory_space<vmem>>) attributes {dimension_semantics = [#tpu.dimension_semantics<arbitrary>], iteration_bounds = array<i64: 32>, scalar_prefetch = 0 : i64, scratch_operands = 0 : i64, tpu.core_type = #tpu.core_type<tc>, window_params = [{transform_indices = @transform_0, window_bounds = array<i64: 12800, 128>}, {transform_indices = @transform_1, window_bounds = array<i64: 200, 8, 1, 8, 128>}]} {
    %get3A = arith.constant 0 : index
    %get3A_0 = arith.constant 0 : index
    %get3A_1 = vector.load %arg1[%get3A, %get3A_0] : memref<12800x128xf32, #tpu.memory_space<vmem>>, vector<12800x128xf32>
    %reshape3A = vector.shape_cast %get3A_1 : vector<12800x128xf32> to vector<128x100x128xf32>
    %transpose3A = tpu.transpose %reshape3A, [1, 2, 0] : vector<128x100x128xf32> -> vector<100x128x128xf32>
    %reshape3A_2 = vector.shape_cast %transpose3A : vector<100x128x128xf32> to vector<100x2x8x8x128xf32>
    %reshape3A_3 = vector.shape_cast %reshape3A_2 : vector<100x2x8x8x128xf32> to vector<200x8x8x128xf32>
    %swap3A = arith.constant 0 : index
    %swap3A_4 = arith.constant 0 : index
    %swap3A_5 = arith.constant 0 : index
    %swap3A_6 = arith.constant 0 : index
    %swap3A_7 = arith.constant 0 : index
    %swap3A_8 = vector.load %arg2[%swap3A, %swap3A_4, %swap3A_5, %swap3A_6, %swap3A_7] : memref<200x8x1x8x128xf32, #tpu.memory_space<vmem>>, vector<200x8x1x8x128xf32>
    %swap3A_9 = vector.shape_cast %swap3A_8 : vector<200x8x1x8x128xf32> to vector<200x8x8x128xf32>
    %swap3A_10 = vector.shape_cast %reshape3A_3 : vector<200x8x8x128xf32> to vector<200x8x1x8x128xf32>
    tpu.vector_store %arg2[%swap3A, %swap3A_4, %swap3A_5, %swap3A_6, %swap3A_7], %swap3A_10 {strides = array<i32>} : memref<200x8x1x8x128xf32, #tpu.memory_space<vmem>>, vector<200x8x1x8x128xf32>,
    return
  }
  func.func @transform_0(%arg0: i32) -> (i32, i32) {
    %c0_i32 = arith.constant 0 : i32
    %c0_i32_0 = arith.constant 0 : i32
    return %arg0, %c0_i32 : i32, i32
  }
  func.func @transform_1(%arg0: i32) -> (i32, i32, i32, i32, i32) {
    %c0_i32 = arith.constant 0 : i32
    %c0_i32_0 = arith.constant 0 : i32
    %c0_i32_1 = arith.constant 0 : i32
    %c0_i32_2 = arith.constant 0 : i32
    %c0_i32_3 = arith.constant 0 : i32
    return %c0_i32, %c0_i32_0, %arg0, %c0_i32_1, %c0_i32_2 : i32, i32, i32, i32, i32
  }
}

</mosaic_0001>

<sc_bundles>
// kernel: kernel.4.cloned.1.call-start
scs
__scs_entry_jumppad:
0x0: {  	(pc) =	sbr.rel $0x88, $3  }
0x1: {  	(tag) =	ssettag $0x0;
	lr =	simm.s32 $0x1  }
0x2: {  	[smem:$0x3F9F] =	sst lr;
	_ =	strace $0xD0000000  }
0x3: {  	_ = 	snop  }
0x4: {  	_ = 	snop  }
0x5: {  	_ = 	snop  }
0x6: {  	_ = 	snop  }
0x7: {  	_ = 	snop  }
__scs_overlays_trampoline_lowered:
0x8: {  	[smem:$0x3FAE] =	sst s0  }
0x9: {  	[smem:$0x3FAF] =	sst s1  }
0xa: {  	[smem:$0x3FB0] =	sst s2  }
0xb: {  	[smem:$0x3FB1] =	sst s3  }
0xc: {  	[smem:$0x3FB2] =	sst s4  }
0xd: {  	[smem:$0x3FB3] =	sst s5  }
0xe: {  	[smem:$0x3FB4] =	sst s6  }
0xf: {  	[smem:$0x3FB5] =	sst s7  }
0x10: {  	[smem:$0x3FB6] =	sst s8  }
0x11: {  	[smem:$0x3FB7] =	sst s9;
	s0 =	simm.s32 @!p0 $0x0  }
0x12: {  	s1 =	sld [smem:$0x3F9D];
	s0 =	simm.s32 @p0 $0x1  }
0x13: {  	[smem:$0x3FB8] =	sst s0;
	s0 =	simm.s32 @!p1 $0x0  }
0x14: {  	s2 =	sld [smem:$0x3F9C];
	s0 =	simm.s32 @p1 $0x1  }
0x15: {  	[smem:$0x3FB9] =	sst s0;
	s0 =	simm.s32 @!p2 $0x0  }
0x16: {  	s3 =	sld [smem:$0x3FDB];
	s0 =	simm.s32 @p2 $0x1  }
0x17: {  	s4 =	simm.s32 $0x1BF5;
	[smem:$0x3FBB] =	sst s0  }
0x18: {  	s0 =	sld [smem:$0x3F9E];
	_ =	swait.ge [sflag:s4], $0x0  }
0x19: {  	s7 =	sld [smem:$0x3F9F]  }
0x1a: {  	s8 =	sadd.s32 $0xFFFFE003, lr  }
0x1b: {  	s9 =	sadd.s32 $0xFFFFFEF7, lr;
	s5 =	simm.s32 $0xFFFFFFFF;
	p2 =	slt.u32 s8, $0xFFFFF086  }
0x1c: {  	p1 =	slt.u32 s9, $0xF7A;
	s5 =	simm.s32 @!p2 $0x0  }
0x1d: {  	s5 =	simm.s32 @p1 $0x1;
	p0 =	seq.s32 s7, s2  }
0x1e: {  	s7 =	smul.u32 @!p0 $0xF7A, s2;
	p2 =	seq.s32 @!p0 s5, $0x0  }
0x1f: {  	s9 =	smul.u32 $0xF7A, s1;
	s8 =	simm.s32 @!p0 $0x1BF5;
	p2 =	por !p2, p0  }
0x20: {  	[sflag:s8] =	ssyncset.s32 @!p0 $0xFFFFF086;
	s6 =	sadd.s32 @!p0 s3, s7;
	s7 =	simm.s32 @!p0 $0x108  }
0x21: {  	s3 =	sadd.s32 s3, s9;
	s6 =	sadd.s32 @!p0 $0x88, s6;
	s7 =	simm.s32 @p2 $0x1082  }
0x22: {  	[simem:s7], [sflag:s8] =	dma.local @!p0 [hbm:s6], $0xF7A  }
0x23: {  	s9 =	sor.u32 $0xD0000000, s2;
	s6 =	simm.s32 $0x108;
	_ =	swait.ge @!p0 [sflag:s8], $0x0  }
0x24: {  	s3 =	sadd.s32 $0x88, s3;
	s6 =	simm.s32 @!p1 $0x1082;
	[sflag:s4] =	ssyncset.s32 $0xFFFFF086  }
0x25: {  	[simem:s6], [sflag:s4] =	dma.local [hbm:s3], $0xF7A  }
0x26: {  	[smem:$0x3F9F] =	sst s1;
	(tag) =	ssettag s2;
	_ =	strace s9  }
0x27: {  	s1 =	sld [smem:$0x3FAF]  }
0x28: {  	s2 =	sld [smem:$0x3FB0]  }
0x29: {  	s4 =	sld [smem:$0x3FB2]  }
0x2a: {  	p0 =	seq.s32 s5, $0x0;
	s5 =	sld [smem:$0x3FB3]  }
0x2b: {  	s6 =	sld [smem:$0x3FB4]  }
0x2c: {  	s7 =	sld [smem:$0x3FB5]  }
0x2d: {  	s3 =	simm.s32 $0x108;
	s8 =	sld [smem:$0x3FB6]  }
0x2e: {  	s3 =	simm.s32 @!p0 $0x1082;
	s9 =	sld [smem:$0x3FB7]  }
0x2f: {  	lr =	sadd.s32 s0, s3;
	s0 =	sld [smem:$0x3FAE]  }
0x30: {  	s3 =	sld [smem:$0x3FB1]  }
0x31: {  	[smem:$0x3FBA] =	sst s10  }
0x32: {  	s10 =	sld [smem:$0x3FB8];
	_ =	sdelay $0x3  }
0x33: {  	p0 =	seq.s32 s10, $0x1;
	s10 =	sld [smem:$0x3FBA];
	_ =	sdelay $0x3  }
0x34: {  	[smem:$0x3FBA] =	sst s10  }
0x35: {  	s10 =	sld [smem:$0x3FB9];
	_ =	sdelay $0x3  }
0x36: {  	p1 =	seq.s32 s10, $0x1;
	s10 =	sld [smem:$0x3FBA];
	_ =	sdelay $0x3  }
0x37: {  	[smem:$0x3FBA] =	sst s10  }
0x38: {  	s10 =	sld [smem:$0x3FBB]  }
0x39: {  	_ = 	snop;
	(pc) =	sbr.ind lr, $3  }
0x3a: {  	_ = 	snop  }
0x3b: {  	_ = 	snop  }
0x3c: {  	p2 =	seq.s32 s10, $0x1;
	s10 =	sld [smem:$0x3FBA]  }
0x3d: {  	_ =	shalt  }
0x3e: {  	_ =	shalt  }
0x3f: {  	_ =	shalt  }
0x40: {  	_ =	shalt  }
0x41: {  	_ =	shalt  }
0x42: {  	_ =	shalt  }
0x43: {  	_ =	shalt  }
0x44: {  	_ =	shalt  }
0x45: {  	_ =	shalt  }
0x46: {  	_ =	shalt  }
0x47: {  	_ =	shalt  }
0x48: {  	_ =	shalt  }
0x49: {  	_ =	shalt  }
0x4a: {  	_ =	shalt  }
0x4b: {  	_ =	shalt  }
0x4c: {  	_ =	shalt  }
0x4d: {  	_ =	shalt  }
0x4e: {  	_ =	shalt  }
0x4f: {  	_ =	shalt  }
0x50: {  	_ =	shalt  }
0x51: {  	_ =	shalt  }
0x52: {  	_ =	shalt  }
0x53: {  	_ =	shalt  }
0x54: {  	_ =	shalt  }
0x55: {  	_ =	shalt  }
0x56: {  	_ =	shalt  }
0x57: {  	_ =	shalt  }
0x58: {  	_ =	shalt  }
0x59: {  	_ =	shalt  }
0x5a: {  	_ =	shalt  }
0x5b: {  	_ =	shalt  }
0x5c: {  	_ =	shalt  }
0x5d: {  	_ =	shalt  }
0x5e: {  	_ =	shalt  }
0x5f: {  	_ =	shalt  }
0x60: {  	_ =	shalt  }
0x61: {  	_ =	shalt  }
0x62: {  	_ =	shalt  }
0x63: {  	_ =	shalt  }
0x64: {  	_ =	shalt  }
0x65: {  	_ =	shalt  }
0x66: {  	_ =	shalt  }
0x67: {  	_ =	shalt  }
0x68: {  	_ =	shalt  }
0x69: {  	_ =	shalt  }
0x6a: {  	_ =	shalt  }
0x6b: {  	_ =	shalt  }
0x6c: {  	_ =	shalt  }
0x6d: {  	_ =	shalt  }
0x6e: {  	_ =	shalt  }
0x6f: {  	_ =	shalt  }
0x70: {  	_ =	shalt  }
0x71: {  	_ =	shalt  }
0x72: {  	_ =	shalt  }
0x73: {  	_ =	shalt  }
0x74: {  	_ =	shalt  }
0x75: {  	_ =	shalt  }
0x76: {  	_ =	shalt  }
0x77: {  	_ =	shalt  }
0x78: {  	_ =	shalt  }
0x79: {  	_ =	shalt  }
0x7a: {  	_ =	shalt  }
0x7b: {  	_ =	shalt  }
0x7c: {  	_ =	shalt  }
0x7d: {  	_ =	shalt  }
0x7e: {  	_ =	shalt  }
0x7f: {  	_ =	shalt  }
0x80: {  	_ =	shalt  }
0x81: {  	_ =	shalt  }
0x82: {  	_ =	shalt  }
0x83: {  	_ =	shalt  }
0x84: {  	_ =	shalt  }
0x85: {  	_ =	shalt  }
0x86: {  	_ =	shalt  }
0x87: {  	_ =	shalt  }
.Lfunc_end0:
.L_simem_size_0:
called_computation_lowered:
.L_overlay_start_0:
0x88: {  	s2 =	sld [smem:$0x3FD9]  }
0x89: {  	s3 =	sld [smem:$0x3FFE];
	_ =	sdelay $0x1  }
0x8a: {  	s1 =	srdreg.scid  }
0x8b: {  	s0 =	sand.u32 $0x1, s1  }
0x8c: {  	s17 =	sshll.u32 s0, $0xA;
	s2 =	sadd.s32 s3, s2  }
0x8d: {  	s2 =	sadd.s32 s2, s17  }
0x8e: {  	[smem:$0x3FC6] =	sst s2  }
0x8f: {  	_ = 	snop  }
0x90: {  	s2 =	sld [smem:$0x3FD0];
	(tm) =	ssettm $0x1  }
0x91: {  	s18 =	sld [smem:$0x3FFB];
	_ =	sdelay $0x3  }
0x92: {  	_ =	strace s18  }
0x93: {  	s3 =	sld [smem:$0x3FFC];
	_ =	sdelay $0x3  }
0x94: {  	_ =	strace s3  }
0x95: {  	s3 =	sld [smem:$0x3FFD];
	_ =	sdelay $0x3  }
0x96: {  	_ =	strace s3  }
0x97: {  	_ =	strace $0x8FFFFFFF  }
0x98: {  	s19 =	sld [smem:$0x3FDB];
	_ =	sdelay $0x1  }
0x99: {  	s4 =	simm.s32 $_scs_section_size  }
0x9a: {  	s5 =	simm.s32 $_size__tile_overlayer_lowered;
	s6 =	simm.s32 $_tile_overlayer_lowered  }
0x9b: {  	s22 =	simm.s32 $0x1BFF;
	s21 =	sshll.u32 s6, $0x1;
	s3 =	sadd.s32 s4, s19  }
0x9c: {  	s7 =	simm.s32 $0x0;
	s20 =	sshll.u32 s5, $0x1;
	s5 =	sadd.s32 s21, s3  }
0x9d: {  	[timem:s7], [sflag:s22] =	dma.local [hbm:s5], s20  }
0x9e: {  	_ =	swait.ge [sflag:s22], s20  }
0x9f: {  	s4 =	ssub.s32 $0x0, s20;
	[sflag:s22] =	ssyncset.done $0x0  }
0xa0: {  	[sflag:s22] =	ssyncadd.s32 s4;
	_ =	sdelay $0x1  }
0xa1: {  	s23 =	simm.s32 $0x1B8B  }
0xa2: {  	_ =	swait.ge [sflag:s23], $0x1  }
0xa3: {  	[sflag:s23] =	ssyncset.done $0x0  }
0xa4: {  	s25 =	simm.s32 $0x1B8E;
	s24 =	sld [smem:$0x3FFE];
	[sflag:s23] =	ssyncadd.s32 $0xFFFFFFFF  }
0xa5: {  	s26 =	simm.s32 $execute0_lowered;
	[smem:$0x3FD2] =	sst s25  }
0xa6: {  	s5 =	sshll.u32 s26, $0x1;
	_ =	strace $0x80000046;
	[dreg:$0x1] =	wrdreg $0xFFFFFFFF  }
0xa7: {  	s28 =	simm.s32 $_size_execute0_lowered;
	s3 =	sadd.s32 s3, s5;
	[dreg:$0x0] =	wrdreg $0x0  }
0xa8: {  	s5 =	sshll.u32 s28, $0x1;
	[dreg:$0x2] =	wrdreg s3  }
0xa9: {  	[dreg:$0x3] =	wrdreg s5  }
0xaa: {  	[dreg:$0x4] =	wrdreg $0xC0  }
0xab: {  	_ =	task [dreg:s7], $0x5FFFF  }
0xac: {  	[dreg:$0x1] =	wrdreg $0xFFFFFFFF  }
0xad: {  	[dreg:$0x0] =	wrdreg $0x60  }
0xae: {  	[dreg:$0x2] =	wrdreg s2  }
0xaf: {  	[dreg:$0x3] =	wrdreg s24  }
0xb0: {  	[dreg:$0x4] =	wrdreg $0x9  }
0xb1: {  	_ =	task.clear_ibuf [dreg:s7], $0x5FFFF;
	_ =	strace $0x90000046  }
0xb2: {  	s29 =	simm.s32 $0x9;
	_ =	strace $0x80000048  }
0xb3: {  	_ =	swait.ge [sflag:s29], $0x1  }
0xb4: {  	[sflag:s29] =	ssyncadd.s32 $0xFFFFFFFF  }
0xb5: {  	_ =	strace $0x90000048  }
0xb6: {  	_ =	sfence  }
0xb7: {  	s30 =	sld [smem:$0x0];
	_ =	sdelay $0x2  }
0xb8: {  	s31 =	sshll.u32 s1, $0xD;
	s1 =	sshrl.u32 s1, $0x2  }
0xb9: {  	s3 =	sand.u32 $0x4000, s31;
	s1 =	sadd.s32 s1, s30  }
0xba: {  	s0 =	sor.u32 s3, s0;
	s1 =	sshll.u32 s1, $0x11  }
0xbb: {  	s0 =	sor.u32 s1, s0  }
0xbc: {  	s0 =	sadd.s32 $0x8F2B, s0  }
0xbd: {  	[sflag:s0] =	ssyncadd.remote.s32 $0x1  }
0xbe: {  	_ =	sfence.sel $0xFFFF  }
0xbf: {  	[dreg:$0x0] =	wrdreg $0xFFFFFFFF;
	(pc) =	sbr.abs _section_cstart, $3  }
0xc0: {  	[dreg:$0x1] =	wrdreg $0xFFFFFFFF  }
0xc1: {  	_ =	task.clear_ibuf [dreg:s7], $0x2FFFF;
	_ =	strace $0x9FFFFFFF  }
0xc2: {  	(tm) =	ssettm $0x7FFFFFFF  }
0xc3: {  	_ =	shalt  }
tec
execute0_lowered:
.L_overlay_start_1:
0x0: {  	(tag) =	ssettag $0x1  }
0x1: {  	s4 =	rddreg [dreg:$0x0]  }
0x2: {  	s5 =	rddreg [dreg:$0x1]  }
0x3: {  	s2 =	srdreg.scid;
	s0 =	rddreg [dreg:$0x2]  }
0x4: {  	s1 =	stileid.u32;
	s13 =	simm.s32 $0x9200;
	s14 =	simm.s32 $0x100  }
0x5: {  	s15 =	simm.s32 $0xB200;
	s16 =	simm.s32 $0x180;
	s17 =	simm.s32 $0xC400  }
0x6: {  	s18 =	simm.s32 $0x1;
	s19 =	simm.s32 $0x3;
	s20 =	simm.s32 $0x2  }
0x7: {  	s21 =	simm.s32 $0x4;
	s22 =	simm.s32 $0x0;
	s6 =	sand.u32 $0x1, s2  }
0x8: {  	s3 =	sshll.u32 s1, $0x8;
	s11 =	smul.u32 $0x64000, s1;
	s7 =	sshll.u32 s6, $0x7  }
0x9: {  	s2 =	simm.s32 $0x0;
	s12 =	smul.u32 $0x32000, s6;
	s7 =	sor.u32 s7, s3  }
0xa: {  	s9 =	sadd.s32 $0x600, s5;
	s31 =	ssub.s32 $0x2, s6;
	s8 =	smul.u32 $0x3200, s7  }
0xb: {  	[smem:$0x7FF] =	sst s2;
	s10 =	sshrl.u32 s31, $0x1;
	s7 =	smul.u32 $0x19, s7  }
0xc: {  	_ =	strace $0x80000047;
	s3 =	sadd.s32 $0xF42A00, s5;
	s10 =	ssub.s32 s31, s10  }
0xd: {  	s8 =	sshrl.u32 s8, $0x3;
	s4 =	sadd.s32 s4, s7;
	s7 =	smax.u32 s10, $0x1  }
0xe: {  	s10 =	simm.s32 $0x5;
	s8 =	sadd.s32 s9, s8;
	s9 =	sadd.s32 s11, s9  }
0xf: {  	s11 =	simm.s32 $0x80;
	s5 =	sadd.s32 $0x31380, s8;
	s6 =	sadd.s32 $0x319C0, s8  }
0x10: {  	s8 =	sadd.s32 $0x9, s4;
	s9 =	sadd.s32 s12, s9;
	s12 =	simm.s32 $0x8000  }
.LBB2_1:
0x11: {  	s23 =	simm.s32 $0x19  }
0x12: {  	s26 =	sadd.s32 $0x0, s4;
	s24 =	simm.s32 $0x100;
	s25 =	simm.s32 $0x0  }
.LBB2_2:
0x13: {  	[tilespmem:s25], [sflag:$0x5] =	stream.linear.gather [hbm4b:s26+s2], $0x80, $0x38;
	[tilespmem:$0xE400] =	vst v63  }
0x14: {  	s26 =	smov.u32 s23;
	s25 =	smov.u32 s24;
	p0 =	sne.s32 s23, $0xC67  }
.Ltmp0:
0x15: {  	s23 =	sadd.s32 $0x19, s23;
	(pc) =	sbr.rel @p0 .LBB2_2-.Ltmp0, $2  }
0x16: {  	_ =	sdelay $0x2  }
0x17: {  	s24 =	sadd.s32 $0x100, s24;
	s26 =	sadd.s32 s26, s4  }
0x18: {  	[tilespmem:s25], [sflag:$0x5] =	stream.linear.gather [hbm4b:s26+s2], $0x80, $0x38;
	[tilespmem:$0xE400] =	vst v63  }
0x19: {  	_ =	swait.ge [sflag:s10], $0x4000  }
0x1a: {  	s23 =	simm.s32 $0x80;
	s24 =	simm.s32 $0x19;
	[sflag:s10] =	ssyncset.done $0x0  }
0x1b: {  	s26 =	sadd.s32 $0x0, s8;
	s25 =	simm.s32 $0x180;
	[sflag:s10] =	ssyncadd.s32 $0xFFFFC000  }
.LBB2_4:
0x1c: {  	[tilespmem:s23], [sflag:$0x5] =	stream.linear.gather [hbm4b:s26+s2], $0x80, $0x38;
	[tilespmem:$0xE400] =	vst v63  }
0x1d: {  	s26 =	smov.u32 s24;
	s23 =	smov.u32 s25;
	p0 =	sne.s32 s24, $0xC67  }
.Ltmp1:
0x1e: {  	s24 =	sadd.s32 $0x19, s24;
	(pc) =	sbr.rel @p0 .LBB2_4-.Ltmp1, $2  }
0x1f: {  	_ =	sdelay $0x2  }
0x20: {  	s25 =	sadd.s32 $0x100, s25;
	s26 =	sadd.s32 s26, s8  }
0x21: {  	[tilespmem:s23], [sflag:$0x5] =	stream.linear.gather [hbm4b:s26+s2], $0x80, $0x38;
	[tilespmem:$0xE400] =	vst v63  }
0x22: {  	_ =	swait.ge [sflag:s10], $0x4000  }
0x23: {  	[sflag:s10] =	ssyncset.done $0x0  }
0x24: {  	s26 =	simm.s32 $0x0;
	[sflag:s10] =	ssyncadd.s32 $0xFFFFC000  }
0x25: {  	[tilespmem:s12], [sflag:$0x1] =	stream.indirect.gather [hbm4b:s3+s11], $0x40, s26, s11, $0xb8;
	[tilespmem:$0xE400] =	vst v63  }
0x26: {  	_ = 	snop  }
0x27: {  	[tilespmem:s13], [sflag:$0x1] =	stream.indirect.gather [hbm4b:s3+s11], $0x40, s11, s11, $0xb8;
	[tilespmem:$0xE400] =	vst v63  }
0x28: {  	_ = 	snop  }
0x29: {  	[tilespmem:s15], [sflag:$0x2] =	stream.indirect.gather [hbm4b:s3+s11], $0x40, s14, s11, $0xb8;
	[tilespmem:$0xE400] =	vst v63  }
0x2a: {  	_ = 	snop  }
0x2b: {  	[tilespmem:s17], [sflag:$0x2] =	stream.indirect.gather [hbm4b:s3+s11], $0x40, s16, s11, $0xb8;
	[tilespmem:$0xE400] =	vst v63  }
0x2c: {  	_ =	swait.ge [sflag:s18], $0x2000  }
0x2d: {  	[sflag:s18] =	ssyncset.done $0x0  }
0x2e: {  	[sflag:s18] =	ssyncadd.s32 $0xFFFFE000  }
0x2f: {  	_ =	swait.ge [sflag:s18], $0x2000  }
0x30: {  	[sflag:s18] =	ssyncset.done $0x0  }
0x31: {  	[sflag:s18] =	ssyncadd.s32 $0xFFFFE000  }
0x32: {  	[hbm4b:s9+s2] =	stream.linear.scatter [tilespmem:s12], [sflag:$0x3], $0x3200, $0x38;
	[tilespmem:$0xE400] =	vst v63  }
0x33: {  	_ =	swait.ge [sflag:s19], $0x3200  }
0x34: {  	[sflag:s19] =	ssyncset.done $0x0  }
0x35: {  	s28 =	simm.s32 $0x200;
	[sflag:s19] =	ssyncadd.s32 $0xFFFFCE00  }
0x36: {  	[tilespmem:s12], [sflag:$0x1] =	stream.indirect.gather [hbm4b:s3+s11], $0x40, s28, s11, $0xb8;
	[tilespmem:$0xE400] =	vst v63  }
0x37: {  	s29 =	simm.s32 $0x280  }
0x38: {  	[tilespmem:s13], [sflag:$0x1] =	stream.indirect.gather [hbm4b:s3+s11], $0x40, s29, s11, $0xb8;
	[tilespmem:$0xE400] =	vst v63  }
0x39: {  	_ =	swait.ge [sflag:s20], $0x2000  }
0x3a: {  	[sflag:s20] =	ssyncset.done $0x0  }
0x3b: {  	[sflag:s20] =	ssyncadd.s32 $0xFFFFE000  }
0x3c: {  	_ =	swait.ge [sflag:s20], $0x2000  }
0x3d: {  	[sflag:s20] =	ssyncset.done $0x0  }
0x3e: {  	s30 =	sadd.s32 $0x640, s9;
	[sflag:s20] =	ssyncadd.s32 $0xFFFFE000  }
0x3f: {  	[hbm4b:s30+s2] =	stream.linear.scatter [tilespmem:s15], [sflag:$0x4], $0x3200, $0x38;
	[tilespmem:$0xE400] =	vst v63  }
0x40: {  	_ =	swait.ge [sflag:s21], $0x3200  }
0x41: {  	s31 =	simm.s32 $0x300;
	s23 =	simm.s32 $0x800;
	[sflag:s21] =	ssyncset.done $0x0  }
0x42: {  	s25 =	simm.s32 $0x380;
	s24 =	sadd.s32 $0xC80, s9;
	[sflag:s21] =	ssyncadd.s32 $0xFFFFCE00  }
0x43: {  	[tilespmem:s15], [sflag:$0x2] =	stream.indirect.gather [hbm4b:s3+s11], $0x40, s31, s11, $0xb8;
	[tilespmem:$0xE400] =	vst v63  }
.LBB2_6:
0x44: {  	[tilespmem:s17], [sflag:$0x2] =	stream.indirect.gather [hbm4b:s3+s11], $0x40, s25, s11, $0xb8;
	[tilespmem:$0xE400] =	vst v63  }
0x45: {  	s25 =	smov.u32 s23  }
0x46: {  	p0 =	sne.s32 s23, $0x1F000;
	s23 =	sadd.s32 $0x800, s23;
	_ =	swait.ge [sflag:s18], $0x2000  }
0x47: {  	[sflag:s18] =	ssyncset.done $0x0  }
0x48: {  	[sflag:s18] =	ssyncadd.s32 $0xFFFFE000  }
0x49: {  	_ =	swait.ge [sflag:s18], $0x2000  }
0x4a: {  	[sflag:s18] =	ssyncset.done $0x0  }
0x4b: {  	[sflag:s18] =	ssyncadd.s32 $0xFFFFE000  }
0x4c: {  	[hbm4b:s24+s2] =	stream.linear.scatter [tilespmem:s12], [sflag:$0x3], $0x3200, $0x38;
	[tilespmem:$0xE400] =	vst v63  }
0x4d: {  	_ =	swait.ge [sflag:s19], $0x3200  }
0x4e: {  	s25 =	sshra.s32 s25, $0x2;
	[sflag:s19] =	ssyncset.done $0x0  }
0x4f: {  	s26 =	sadd.s32 $0x200, s25;
	[sflag:s19] =	ssyncadd.s32 $0xFFFFCE00  }
0x50: {  	[tilespmem:s12], [sflag:$0x1] =	stream.indirect.gather [hbm4b:s3+s11], $0x40, s26, s11, $0xb8;
	[tilespmem:$0xE400] =	vst v63  }
0x51: {  	s26 =	sadd.s32 $0x280, s25  }
0x52: {  	[tilespmem:s13], [sflag:$0x1] =	stream.indirect.gather [hbm4b:s3+s11], $0x40, s26, s11, $0xb8;
	[tilespmem:$0xE400] =	vst v63  }
0x53: {  	_ =	swait.ge [sflag:s20], $0x2000  }
0x54: {  	[sflag:s20] =	ssyncset.done $0x0  }
0x55: {  	[sflag:s20] =	ssyncadd.s32 $0xFFFFE000  }
0x56: {  	_ =	swait.ge [sflag:s20], $0x2000  }
0x57: {  	[sflag:s20] =	ssyncset.done $0x0  }
0x58: {  	s26 =	sadd.s32 $0x640, s24;
	[sflag:s20] =	ssyncadd.s32 $0xFFFFE000  }
0x59: {  	[hbm4b:s26+s2] =	stream.linear.scatter [tilespmem:s15], [sflag:$0x4], $0x3200, $0x38;
	[tilespmem:$0xE400] =	vst v63  }
.Ltmp2:
0x5a: {  	_ =	swait.ge [sflag:s21], $0x3200;
	(pc) =	sbr.rel @p0 .LBB2_6-.Ltmp2, $4  }
0x5b: {  	[sflag:s21] =	ssyncset.done $0x0  }
0x5c: {  	s26 =	sadd.s32 $0x300, s25;
	[sflag:s21] =	ssyncadd.s32 $0xFFFFCE00  }
0x5d: {  	[tilespmem:s15], [sflag:$0x2] =	stream.indirect.gather [hbm4b:s3+s11], $0x40, s26, s11, $0xb8;
	[tilespmem:$0xE400] =	vst v63  }
0x5e: {  	s24 =	sadd.s32 $0xC80, s24;
	s25 =	sadd.s32 $0x380, s25  }
0x5f: {  	[tilespmem:s17], [sflag:$0x2] =	stream.indirect.gather [hbm4b:s3+s11], $0x40, s25, s11, $0xb8;
	[tilespmem:$0xE400] =	vst v63  }
0x60: {  	_ =	swait.ge [sflag:s18], $0x2000  }
0x61: {  	[sflag:s18] =	ssyncset.done $0x0  }
0x62: {  	[sflag:s18] =	ssyncadd.s32 $0xFFFFE000  }
0x63: {  	_ =	swait.ge [sflag:s18], $0x2000  }
0x64: {  	[sflag:s18] =	ssyncset.done $0x0  }
0x65: {  	[sflag:s18] =	ssyncadd.s32 $0xFFFFE000  }
0x66: {  	[hbm4b:s5+s2] =	stream.linear.scatter [tilespmem:s12], [sflag:$0x3], $0x3200, $0x38;
	[tilespmem:$0xE400] =	vst v63  }
0x67: {  	_ =	swait.ge [sflag:s20], $0x2000  }
0x68: {  	[sflag:s20] =	ssyncset.done $0x0  }
0x69: {  	[sflag:s20] =	ssyncadd.s32 $0xFFFFE000  }
0x6a: {  	_ =	swait.ge [sflag:s20], $0x2000  }
0x6b: {  	[sflag:s20] =	ssyncset.done $0x0  }
0x6c: {  	s22 =	sadd.s32 $0x1, s22;
	[sflag:s20] =	ssyncadd.s32 $0xFFFFE000  }
0x6d: {  	[hbm4b:s6+s2] =	stream.linear.scatter [tilespmem:s15], [sflag:$0x4], $0x3200, $0x38;
	[tilespmem:$0xE400] =	vst v63  }
0x6e: {  	p0 =	sne.s32 s22, s7;
	_ =	swait.ge [sflag:s19], $0x3200  }
.Ltmp3:
0x6f: {  	[sflag:s19] =	ssyncset.done $0x0;
	(pc) =	sbr.rel @p0 .LBB2_1-.Ltmp3, $4  }
0x70: {  	[sflag:s19] =	ssyncadd.s32 $0xFFFFCE00  }
0x71: {  	_ =	swait.ge [sflag:s21], $0x3200  }
0x72: {  	[sflag:s21] =	ssyncset.done $0x0  }
0x73: {  	[sflag:s21] =	ssyncadd.s32 $0xFFFFCE00  }
0x74: {  	_ =	sfence.sel $0x180000  }
0x75: {  	[bflag:$0x0] =	sbarrier.arrive $0xFFFF  }
0x76: {  	p0 =	sne.s32 s1, $0x0;
	_ =	strace $0x90000047  }
0x77: {  	s0 =	sadd.s32 @!p0 $0x100000, s0;
	[bflag:$0x2] =	sbarrier.arrive $0xFFFF  }
0x78: {  	[sflag:s0] =	ssyncadd.tile.s32 @!p0 $0x1;
	_ =	shalt  }
.Lfunc_end2:
_tile_overlayer_lowered:
.L_overlay_start_2:
0x79: {  	(tag) =	ssettag $0x2  }
0x7a: {  	s0 =	rddreg [dreg:$0x0];
	s2 =	stileid.u32  }
0x7b: {  	s1 =	rddreg [dreg:$0x1];
	p0 =	sne.s32 s2, $0x0  }
0x7c: {  	s3 =	rddreg [dreg:$0x2];
	[bflag:$0x3] =	sbarrier.arrive $0xFFFF;
	s2 =	simm.s32 @!p0 $0x1C05  }
0x7d: {  	[timem:s3], [sflag:s2] =	dma.local @!p0 [hbm:s0], s1  }
0x7e: {  	s0 =	simm.s32 @!p0 $0x5  }
0x7f: {  	_ =	swait.ge @!p0 [sflag:s0], s1  }
0x80: {  	s1 =	ssub.s32 @!p0 $0x0, s1;
	[sflag:s0] =	ssyncset.done @!p0 $0x0  }
0x81: {  	[sflag:s0] =	ssyncadd.s32 @!p0 s1  }
0x82: {  	[bflag:$0x3] =	sbarrier.arrive $0xFFFF  }
0x83: {  	_ =	shalt  }

</sc_bundles>
